<compile_context>
chip_gen: v7x
topology: tpu7x:2x2x1
jax: 0.10.2.dev20260603
libtpu: 0.0.44.dev20260713+nightly
codegen_flags: <defaults>
</compile_context>

<pallas_src>
import functools

import numpy as np

import jax
import jax.numpy as jnp
from jax import lax
from jax.experimental import pallas as pl
from jax.experimental.pallas import tpu as pltpu
from jax.experimental.pallas import tpu_sc as plsc

N_NODES = 10000
N_EDGES = 320000
D = 128

NC = 2
NS = 16
NW = NC * NS
CHUNK = 128
CHUNKS_PER_W = 80
E_PAD = NW * CHUNK * CHUNKS_PER_W
N_DUMP = 16
N_ACC = 10240


def _deg_body(row2d, deg_out, deg_acc, rstage, ones_v, zeros_v,
              semd0, semd1, semd2, semd3):
    c = lax.axis_index("c")
    s = lax.axis_index("s")
    wid = c * NS + s
    for j in range(CHUNK // 16):
        ones_v[pl.ds(j * 16, 16)] = jnp.ones((16,), jnp.float32)
        zeros_v[pl.ds(j * 16, 16)] = jnp.zeros((16,), jnp.float32)
    for k in range(N_ACC // NS // CHUNK):
        pltpu.sync_copy(zeros_v, deg_acc.at[pl.ds(s * (N_ACC // NS) + k * CHUNK, CHUNK)])
    plsc.subcore_barrier()
    pltpu.sync_copy(row2d.at[pl.ds(wid * CHUNKS_PER_W, CHUNKS_PER_W)], rstage)

    sems = (semd0, semd1, semd2, semd3)
    for b in range(4):
        pltpu.async_copy(ones_v, deg_acc.at[rstage.at[b]], sems[b], add=True)

    def body(t, carry):
        for b in range(4):
            g = 4 * t + b
            pltpu.make_async_copy(ones_v, deg_acc.at[rstage.at[g]], sems[b]).wait()

            @pl.when(t < CHUNKS_PER_W // 4 - 1)
            def _():
                pltpu.async_copy(ones_v, deg_acc.at[rstage.at[g + 4]], sems[b],
                                 add=True)

        return carry

    lax.fori_loop(0, CHUNKS_PER_W // 4, body, 0)
    pltpu.sync_copy(deg_acc.at[pl.ds(s * (N_ACC // NS), CHUNK)], zeros_v)
    plsc.subcore_barrier()
    plsc.subcore_barrier()
    pltpu.sync_copy(deg_acc.at[pl.ds(s * (N_ACC // NS), N_ACC // NS)],
                    deg_out.at[pl.ds(c * N_ACC + s * (N_ACC // NS), N_ACC // NS)])


def _deg_kernel(row2d):
    return pl.kernel(
        _deg_body,
        out_type=jax.ShapeDtypeStruct((NC * N_ACC,), jnp.float32),
        mesh=plsc.VectorSubcoreMesh(core_axis_name="c", subcore_axis_name="s"),
        scratch_types=[
            pltpu.VMEM_SHARED((N_ACC,), jnp.float32),
            pltpu.VMEM((CHUNKS_PER_W, CHUNK), jnp.int32),
            pltpu.VMEM((CHUNK,), jnp.float32),
            pltpu.VMEM((CHUNK,), jnp.float32),
            pltpu.SemaphoreType.DMA,
            pltpu.SemaphoreType.DMA,
            pltpu.SemaphoreType.DMA,
            pltpu.SemaphoreType.DMA,
        ],
    )(row2d)


def _convert_rows(gb, fb):
    def cbody(i, carry):
        for k in range(D // 32):
            w = plsc.bitcast(gb[i, pl.ds(32 * k, 32)], jnp.int32)
            lo = plsc.bitcast(lax.shift_left(w, 16), jnp.float32)
            hi = plsc.bitcast(
                lax.bitwise_and(w, jnp.int32(-65536)), jnp.float32)
            fb[i, pl.ds(32 * k, 16)] = lo
            fb[i, pl.ds(32 * k + 16, 16)] = hi
        return carry

    lax.fori_loop(0, CHUNK, cbody, 0)


def _edge_body(cr3d, z, out_p, acc, crbuf0, crbuf1, gb0, gb1, fb,
               semg0, semg1, sems):
    c = lax.axis_index("c")
    s = lax.axis_index("s")
    wid = c * NS + s
    base = wid * CHUNKS_PER_W
    def zbody(i, carry):
        for j in range(D // 16):
            fb[i, pl.ds(j * 16, 16)] = jnp.zeros((16,), jnp.float32)
        return carry

    lax.fori_loop(0, CHUNK, zbody, 0)
    for k in range(N_ACC // NS // CHUNK):
        pltpu.sync_copy(fb, acc.at[pl.ds(s * (N_ACC // NS) + k * CHUNK, CHUNK)])
    plsc.subcore_barrier()

    pltpu.sync_copy(cr3d.at[base], crbuf0)
    pltpu.sync_copy(cr3d.at[base + 1], crbuf1)
    pltpu.async_copy(z.at[crbuf0.at[0]], gb0, semg0)
    pltpu.async_copy(z.at[crbuf1.at[0]], gb1, semg1)
    np = CHUNKS_PER_W // 2

    def body(t, carry):
        a = base + 2 * t
        pltpu.make_async_copy(z.at[crbuf0.at[0]], gb0, semg0).wait()
        _convert_rows(gb0, fb)
        pltpu.async_copy(fb, acc.at[crbuf0.at[1]], sems, add=True).wait()

        @pl.when(t < np - 1)
        def _():
            pltpu.sync_copy(cr3d.at[a + 2], crbuf0)
            pltpu.async_copy(z.at[crbuf0.at[0]], gb0, semg0)

        pltpu.make_async_copy(z.at[crbuf1.at[0]], gb1, semg1).wait()
        _convert_rows(gb1, fb)
        pltpu.async_copy(fb, acc.at[crbuf1.at[1]], sems, add=True).wait()

        @pl.when(t < np - 1)
        def _():
            pltpu.sync_copy(cr3d.at[a + 3], crbuf1)
            pltpu.async_copy(z.at[crbuf1.at[0]], gb1, semg1)

        return carry

    lax.fori_loop(0, np, body, 0)
    pltpu.sync_copy(acc.at[pl.ds(s * (N_ACC // NS), 8)], fb.at[pl.ds(0, 8)])
    plsc.subcore_barrier()
    plsc.subcore_barrier()
    rows_per_tile = N_ACC // NS
    pltpu.sync_copy(acc.at[pl.ds(s * rows_per_tile, rows_per_tile)],
                    out_p.at[c, pl.ds(s * rows_per_tile, rows_per_tile)])


def _edge_kernel(cr3d, z):
    return pl.kernel(
        _edge_body,
        out_type=jax.ShapeDtypeStruct((NC, N_ACC, D), jnp.float32),
        mesh=plsc.VectorSubcoreMesh(core_axis_name="c", subcore_axis_name="s"),
        compiler_params=pltpu.CompilerParams(use_tc_tiling_on_sc=False,
                                             needs_layout_passes=False),
        scratch_types=[
            pltpu.VMEM_SHARED((N_ACC, D), jnp.float32),
            pltpu.VMEM((2, CHUNK), jnp.int32),
            pltpu.VMEM((2, CHUNK), jnp.int32),
            pltpu.VMEM((CHUNK, D), jnp.bfloat16),
            pltpu.VMEM((CHUNK, D), jnp.bfloat16),
            pltpu.VMEM((CHUNK, D), jnp.float32),
            pltpu.SemaphoreType.DMA,
            pltpu.SemaphoreType.DMA,
            pltpu.SemaphoreType.DMA,
        ],
    )(cr3d, z)


def _dis_from(deg_ref):
    d = deg_ref[..., 0:1] + deg_ref[..., 1:2]
    return jnp.where(d > 0.0, lax.rsqrt(d), 0.0)


def _z_body(x_ref, w_ref, deg_ref, o_ref):
    mm = lax.dot_general(x_ref[...], w_ref[...], (((1,), (1,)), ((), ())),
                         preferred_element_type=jnp.float32)
    o_ref[...] = (mm * _dis_from(deg_ref)).astype(jnp.bfloat16)


def _z_kernel(x, w, deg_t):
    blk = 1000
    grid = N_NODES // blk
    return pl.pallas_call(
        _z_body,
        grid=(grid,),
        in_specs=[
            pl.BlockSpec((blk, D), lambda i: (i, 0)),
            pl.BlockSpec((D, D), lambda i: (0, 0)),
            pl.BlockSpec((blk, NC), lambda i: (i, 0)),
        ],
        out_specs=pl.BlockSpec((blk, D), lambda i: (i, 0)),
        out_shape=jax.ShapeDtypeStruct((N_NODES, D), jnp.bfloat16),
    )(x, w, deg_t)


def _final_body(p_ref, deg_ref, b_ref, o_ref):
    acc = p_ref[0] + p_ref[1]
    o_ref[...] = acc * _dis_from(deg_ref) + b_ref[...]


def _final_kernel(out_p, deg_t, b2):
    blk = 1000
    grid = N_NODES // blk
    return pl.pallas_call(
        _final_body,
        grid=(grid,),
        in_specs=[
            pl.BlockSpec((NC, blk, D), lambda i: (0, i, 0)),
            pl.BlockSpec((blk, NC), lambda i: (i, 0)),
            pl.BlockSpec((1, D), lambda i: (0, 0)),
        ],
        out_specs=pl.BlockSpec((blk, D), lambda i: (i, 0)),
        out_shape=jax.ShapeDtypeStruct((N_NODES, D), jnp.float32),
    )(out_p, deg_t, b2)


@jax.jit
def kernel(x, edge_index, W, b):
    row = edge_index[0]
    col = edge_index[1]
    pad = E_PAD - N_EDGES
    pad_row = N_NODES + (jnp.arange(pad, dtype=jnp.int32) % N_DUMP)
    pad_col = jnp.zeros((pad,), jnp.int32)
    row2d = jnp.concatenate([row, pad_row]).reshape(E_PAD // CHUNK, CHUNK)
    col2d = jnp.concatenate([col, pad_col]).reshape(E_PAD // CHUNK, CHUNK)
    cr3d = jnp.stack([col2d, row2d], axis=1)

    perm = np.empty((D,), dtype=np.int64)
    for k in range(D // 32):
        for j in range(16):
            perm[32 * k + j] = 32 * k + 2 * j
            perm[32 * k + 16 + j] = 32 * k + 2 * j + 1
    inv_perm = np.argsort(perm)
    W2 = W[jnp.asarray(inv_perm)]

    deg_p = _deg_kernel(row2d).reshape(NC, N_ACC)
    deg_t = deg_p[:, :N_NODES].T
    z = _z_kernel(x, W2, deg_t)
    out_p = _edge_kernel(cr3d, z)
    return _final_kernel(out_p, deg_t, b.reshape(1, D))

# --- scband reference (transcript-rebuilt; emitter-appended) ---
"""Pipeline reference for scband-gcnconv-80367428042848 (READ-ONLY COPY).

The authoritative reference and input builder live on the scoring server;
editing this copy changes nothing except your own understanding.
"""

import jax, jax.numpy as jnp
import numpy as np

N = 10000
E = 320000
D_IN = 128
D_OUT = 128

def setup_inputs(seed: int = 0) -> dict:
    key = jax.random.key(seed)
    k1, k2, k3, k4 = jax.random.split(key, 4)
    x = jax.random.normal(k1, (N, D_IN), dtype=jnp.float32)
    edge_index = jax.random.randint(k2, (2, E), 0, N, dtype=jnp.int32)
    bound = 1.0 / np.sqrt(D_IN)
    W = jax.random.uniform(k3, (D_OUT, D_IN), dtype=jnp.float32, minval=-bound, maxval=bound)
    b = jax.random.uniform(k4, (D_OUT,), dtype=jnp.float32, minval=-bound, maxval=bound)
    return {"x": x, "edge_index": edge_index, "W": W, "b": b}

def reference(x, edge_index, W, b):
    row = edge_index[0]
    col = edge_index[1]
    num_nodes = x.shape[0]
    # degree via scatter-add of ones on destination (row)
    deg = jax.ops.segment_sum(jnp.ones((row.shape[0],), dtype=x.dtype), row, num_segments=num_nodes)
    deg_inv_sqrt = jnp.where(deg > 0, jax.lax.rsqrt(deg), 0.0)
    norm = deg_inv_sqrt[row] * deg_inv_sqrt[col]
    # gather source features and scatter-add to destinations
    src = x[col] * norm[:, None]
    out = jnp.zeros_like(x).at[row].add(src)
    # final linear layer: out @ W^T + b
    return out @ W.T + b

if __name__ == "__main__":
    import jax
    _d = setup_inputs()
    print(jax.jit(kernel)(*tuple(_d.values())))

</pallas_src>

<mosaic_0001>
#map = affine_map<(d0, d1) -> (0, 0, 0)>
#map1 = affine_map<(d0, d1) -> (0, 0)>
module attributes {stable_mosaic.version = 14 : i64} {
  func.func @_edge_body(%arg0: i32, %arg1: i32, %arg2: memref<2560x2x128xi32, #tpu.memory_space<hbm>>, %arg3: memref<10000x128xbf16, #tpu.memory_space<hbm>>, %arg4: memref<2x10240x128xf32, #tpu.memory_space<hbm>>, %arg5: memref<10240x128xf32, #tpu.memory_space<vmem_shared>>, %arg6: memref<2x128xi32, #tpu.memory_space<vmem>>, %arg7: memref<2x128xi32, #tpu.memory_space<vmem>>, %arg8: memref<128x128xbf16, #tpu.memory_space<vmem>>, %arg9: memref<128x128xbf16, #tpu.memory_space<vmem>>, %arg10: memref<128x128xf32, #tpu.memory_space<vmem>>, %arg11: memref<!tpu.dma_semaphore, #tpu.memory_space<semaphore_mem>>, %arg12: memref<!tpu.dma_semaphore, #tpu.memory_space<semaphore_mem>>, %arg13: memref<!tpu.dma_semaphore, #tpu.memory_space<semaphore_mem>>) attributes {dimension_semantics = [#tpu.dimension_semantics<core_parallel>, #tpu.dimension_semantics<subcore_parallel>], iteration_bounds = array<i64: 2, 16>, scalar_prefetch = 0 : i64, scratch_operands = 9 : i64, tpu.core_type = #tpu.core_type<sc_vector_subcore>, window_params = [{transform_indices = #map}, {transform_indices = #map1}, {transform_indices = #map}]} {
    %mul3A = arith.constant 16 : i32
    %mul3A_0 = arith.muli %arg0, %mul3A : i32
    %add3A = arith.addi %mul3A_0, %arg1 : i32
    %mul3A_1 = arith.constant 80 : i32
    %mul3A_2 = arith.muli %add3A, %mul3A_1 : i32
    %scan3A = arith.constant 0 : i32
    %scan3A_3 = arith.constant 0 : i32
    %scan3A_4 = arith.constant 128 : i32
    %scan3A_5 = arith.addi %scan3A_3, %scan3A_4 : i32
    %scan3A_6 = arith.constant 1 : i32
    scf.for %scan3A_57 = %scan3A_3 to %scan3A_5 step %scan3A_6  : i32 {
      %broadcast_in_dim3A = arith.constant 0.000000e+00 : f32
      %broadcast_in_dim3A_58 = vector.broadcast %broadcast_in_dim3A : f32 to vector<16xf32>
      %swap3A = arith.index_cast %scan3A_57 : i32 to index
      %swap3A_59 = arith.constant 0 : index
      %swap3A_60 = tpu.vector_load %arg10[%swap3A, %swap3A_59] {strides = array<i32>} : memref<128x128xf32, #tpu.memory_space<vmem>>, vector<16xf32>,
      tpu.vector_store %arg10[%swap3A, %swap3A_59], %broadcast_in_dim3A_58 {strides = array<i32>} : memref<128x128xf32, #tpu.memory_space<vmem>>, vector<16xf32>,
      %broadcast_in_dim3A_61 = arith.constant 0.000000e+00 : f32
      %broadcast_in_dim3A_62 = vector.broadcast %broadcast_in_dim3A_61 : f32 to vector<16xf32>
      %swap3A_63 = arith.index_cast %scan3A_57 : i32 to index
      %swap3A_64 = arith.constant 16 : index
      %swap3A_65 = tpu.vector_load %arg10[%swap3A_63, %swap3A_64] {strides = array<i32>} : memref<128x128xf32, #tpu.memory_space<vmem>>, vector<16xf32>,
      tpu.vector_store %arg10[%swap3A_63, %swap3A_64], %broadcast_in_dim3A_62 {strides = array<i32>} : memref<128x128xf32, #tpu.memory_space<vmem>>, vector<16xf32>,
      %broadcast_in_dim3A_66 = arith.constant 0.000000e+00 : f32
      %broadcast_in_dim3A_67 = vector.broadcast %broadcast_in_dim3A_66 : f32 to vector<16xf32>
      %swap3A_68 = arith.index_cast %scan3A_57 : i32 to index
      %swap3A_69 = arith.constant 32 : index
      %swap3A_70 = tpu.vector_load %arg10[%swap3A_68, %swap3A_69] {strides = array<i32>} : memref<128x128xf32, #tpu.memory_space<vmem>>, vector<16xf32>,
      tpu.vector_store %arg10[%swap3A_68, %swap3A_69], %broadcast_in_dim3A_67 {strides = array<i32>} : memref<128x128xf32, #tpu.memory_space<vmem>>, vector<16xf32>,
      %broadcast_in_dim3A_71 = arith.constant 0.000000e+00 : f32
      %broadcast_in_dim3A_72 = vector.broadcast %broadcast_in_dim3A_71 : f32 to vector<16xf32>
      %swap3A_73 = arith.index_cast %scan3A_57 : i32 to index
      %swap3A_74 = arith.constant 48 : index
      %swap3A_75 = tpu.vector_load %arg10[%swap3A_73, %swap3A_74] {strides = array<i32>} : memref<128x128xf32, #tpu.memory_space<vmem>>, vector<16xf32>,
      tpu.vector_store %arg10[%swap3A_73, %swap3A_74], %broadcast_in_dim3A_72 {strides = array<i32>} : memref<128x128xf32, #tpu.memory_space<vmem>>, vector<16xf32>,
      %broadcast_in_dim3A_76 = arith.constant 0.000000e+00 : f32
      %broadcast_in_dim3A_77 = vector.broadcast %broadcast_in_dim3A_76 : f32 to vector<16xf32>
      %swap3A_78 = arith.index_cast %scan3A_57 : i32 to index
      %swap3A_79 = arith.constant 64 : index
      %swap3A_80 = tpu.vector_load %arg10[%swap3A_78, %swap3A_79] {strides = array<i32>} : memref<128x128xf32, #tpu.memory_space<vmem>>, vector<16xf32>,
      tpu.vector_store %arg10[%swap3A_78, %swap3A_79], %broadcast_in_dim3A_77 {strides = array<i32>} : memref<128x128xf32, #tpu.memory_space<vmem>>, vector<16xf32>,
      %broadcast_in_dim3A_81 = arith.constant 0.000000e+00 : f32
      %broadcast_in_dim3A_82 = vector.broadcast %broadcast_in_dim3A_81 : f32 to vector<16xf32>
      %swap3A_83 = arith.index_cast %scan3A_57 : i32 to index
      %swap3A_84 = arith.constant 80 : index
      %swap3A_85 = tpu.vector_load %arg10[%swap3A_83, %swap3A_84] {strides = array<i32>} : memref<128x128xf32, #tpu.memory_space<vmem>>, vector<16xf32>,
      tpu.vector_store %arg10[%swap3A_83, %swap3A_84], %broadcast_in_dim3A_82 {strides = array<i32>} : memref<128x128xf32, #tpu.memory_space<vmem>>, vector<16xf32>,
      %broadcast_in_dim3A_86 = arith.constant 0.000000e+00 : f32
      %broadcast_in_dim3A_87 = vector.broadcast %broadcast_in_dim3A_86 : f32 to vector<16xf32>
      %swap3A_88 = arith.index_cast %scan3A_57 : i32 to index
      %swap3A_89 = arith.constant 96 : index
      %swap3A_90 = tpu.vector_load %arg10[%swap3A_88, %swap3A_89] {strides = array<i32>} : memref<128x128xf32, #tpu.memory_space<vmem>>, vector<16xf32>,
      tpu.vector_store %arg10[%swap3A_88, %swap3A_89], %broadcast_in_dim3A_87 {strides = array<i32>} : memref<128x128xf32, #tpu.memory_space<vmem>>, vector<16xf32>,
      %broadcast_in_dim3A_91 = arith.constant 0.000000e+00 : f32
      %broadcast_in_dim3A_92 = vector.broadcast %broadcast_in_dim3A_91 : f32 to vector<16xf32>
      %swap3A_93 = arith.index_cast %scan3A_57 : i32 to index
      %swap3A_94 = arith.constant 112 : index
      %swap3A_95 = tpu.vector_load %arg10[%swap3A_93, %swap3A_94] {strides = array<i32>} : memref<128x128xf32, #tpu.memory_space<vmem>>, vector<16xf32>,
      tpu.vector_store %arg10[%swap3A_93, %swap3A_94], %broadcast_in_dim3A_92 {strides = array<i32>} : memref<128x128xf32, #tpu.memory_space<vmem>>, vector<16xf32>,
    }
    %scan3A_7 = arith.constant 128 : i32
    %mul3A_8 = arith.constant 640 : i32
    %mul3A_9 = arith.muli %arg1, %mul3A_8 : i32
    %add3A_10 = arith.constant 0 : i32
    %add3A_11 = arith.addi %mul3A_9, %add3A_10 : i32
    "tpu.region"() ({
      %run_scoped3A = tpu.sem_alloc : memref<!tpu.dma_semaphore, #tpu.memory_space<semaphore_mem>>
      %dma_start3A_57 = arith.constant 0 : i32
      %dma_start3A_58 = tpu.memref_slice %arg5[%add3A_11, %dma_start3A_57] : memref<10240x128xf32, #tpu.memory_space<vmem_shared>> -> memref<128x128xf32, #tpu.memory_space<vmem_shared>>
      %dma_start3A_59 = arith.constant 0 : i32
      %dma_start3A_60 = tpu.memref_slice %arg5[%add3A_11, %dma_start3A_59] : memref<10240x128xf32, #tpu.memory_space<vmem_shared>> -> memref<128x128xf32, #tpu.memory_space<vmem_shared>>
      tpu.enqueue_dma source(%arg10 : memref<128x128xf32, #tpu.memory_space<vmem>>) target(%dma_start3A_60 : memref<128x128xf32, #tpu.memory_space<vmem_shared>>) target_semaphore(%run_scoped3A : memref<!tpu.dma_semaphore, #tpu.memory_space<semaphore_mem>>)
      %dma_wait3A = arith.constant 0 : i32
      %dma_wait3A_61 = tpu.memref_slice %arg5[%add3A_11, %dma_wait3A] : memref<10240x128xf32, #tpu.memory_space<vmem_shared>> -> memref<128x128xf32, #tpu.memory_space<vmem_shared>>
      %dma_wait3A_62 = arith.constant 0 : i32
      %dma_wait3A_63 = tpu.memref_slice %arg5[%add3A_11, %dma_wait3A_62] : memref<10240x128xf32, #tpu.memory_space<vmem_shared>> -> memref<128x128xf32, #tpu.memory_space<vmem_shared>>
      tpu.wait_dma2 semaphore(%run_scoped3A : memref<!tpu.dma_semaphore, #tpu.memory_space<semaphore_mem>>) src(%arg10 : memref<128x128xf32, #tpu.memory_space<vmem>>) dst(%dma_wait3A_63 : memref<128x128xf32, #tpu.memory_space<vmem_shared>>)
      tpu.yield
    }) : () -> ()
    %mul3A_12 = arith.constant 640 : i32
    %mul3A_13 = arith.muli %arg1, %mul3A_12 : i32
    %add3A_14 = arith.constant 128 : i32
    %add3A_15 = arith.addi %mul3A_13, %add3A_14 : i32
    "tpu.region"() ({
      %run_scoped3A = tpu.sem_alloc : memref<!tpu.dma_semaphore, #tpu.memory_space<semaphore_mem>>
      %dma_start3A_57 = arith.constant 0 : i32
      %dma_start3A_58 = tpu.memref_slice %arg5[%add3A_15, %dma_start3A_57] : memref<10240x128xf32, #tpu.memory_space<vmem_shared>> -> memref<128x128xf32, #tpu.memory_space<vmem_shared>>
      %dma_start3A_59 = arith.constant 0 : i32
      %dma_start3A_60 = tpu.memref_slice %arg5[%add3A_15, %dma_start3A_59] : memref<10240x128xf32, #tpu.memory_space<vmem_shared>> -> memref<128x128xf32, #tpu.memory_space<vmem_shared>>
      tpu.enqueue_dma source(%arg10 : memref<128x128xf32, #tpu.memory_space<vmem>>) target(%dma_start3A_60 : memref<128x128xf32, #tpu.memory_space<vmem_shared>>) target_semaphore(%run_scoped3A : memref<!tpu.dma_semaphore, #tpu.memory_space<semaphore_mem>>)
      %dma_wait3A = arith.constant 0 : i32
      %dma_wait3A_61 = tpu.memref_slice %arg5[%add3A_15, %dma_wait3A] : memref<10240x128xf32, #tpu.memory_space<vmem_shared>> -> memref<128x128xf32, #tpu.memory_space<vmem_shared>>
      %dma_wait3A_62 = arith.constant 0 : i32
      %dma_wait3A_63 = tpu.memref_slice %arg5[%add3A_15, %dma_wait3A_62] : memref<10240x128xf32, #tpu.memory_space<vmem_shared>> -> memref<128x128xf32, #tpu.memory_space<vmem_shared>>
      tpu.wait_dma2 semaphore(%run_scoped3A : memref<!tpu.dma_semaphore, #tpu.memory_space<semaphore_mem>>) src(%arg10 : memref<128x128xf32, #tpu.memory_space<vmem>>) dst(%dma_wait3A_63 : memref<128x128xf32, #tpu.memory_space<vmem_shared>>)
      tpu.yield
    }) : () -> ()
    %mul3A_16 = arith.constant 640 : i32
    %mul3A_17 = arith.muli %arg1, %mul3A_16 : i32
    %add3A_18 = arith.constant 256 : i32
    %add3A_19 = arith.addi %mul3A_17, %add3A_18 : i32
    "tpu.region"() ({
      %run_scoped3A = tpu.sem_alloc : memref<!tpu.dma_semaphore, #tpu.memory_space<semaphore_mem>>
      %dma_start3A_57 = arith.constant 0 : i32
      %dma_start3A_58 = tpu.memref_slice %arg5[%add3A_19, %dma_start3A_57] : memref<10240x128xf32, #tpu.memory_space<vmem_shared>> -> memref<128x128xf32, #tpu.memory_space<vmem_shared>>
      %dma_start3A_59 = arith.constant 0 : i32
      %dma_start3A_60 = tpu.memref_slice %arg5[%add3A_19, %dma_start3A_59] : memref<10240x128xf32, #tpu.memory_space<vmem_shared>> -> memref<128x128xf32, #tpu.memory_space<vmem_shared>>
      tpu.enqueue_dma source(%arg10 : memref<128x128xf32, #tpu.memory_space<vmem>>) target(%dma_start3A_60 : memref<128x128xf32, #tpu.memory_space<vmem_shared>>) target_semaphore(%run_scoped3A : memref<!tpu.dma_semaphore, #tpu.memory_space<semaphore_mem>>)
      %dma_wait3A = arith.constant 0 : i32
      %dma_wait3A_61 = tpu.memref_slice %arg5[%add3A_19, %dma_wait3A] : memref<10240x128xf32, #tpu.memory_space<vmem_shared>> -> memref<128x128xf32, #tpu.memory_space<vmem_shared>>
      %dma_wait3A_62 = arith.constant 0 : i32
      %dma_wait3A_63 = tpu.memref_slice %arg5[%add3A_19, %dma_wait3A_62] : memref<10240x128xf32, #tpu.memory_space<vmem_shared>> -> memref<128x128xf32, #tpu.memory_space<vmem_shared>>
      tpu.wait_dma2 semaphore(%run_scoped3A : memref<!tpu.dma_semaphore, #tpu.memory_space<semaphore_mem>>) src(%arg10 : memref<128x128xf32, #tpu.memory_space<vmem>>) dst(%dma_wait3A_63 : memref<128x128xf32, #tpu.memory_space<vmem_shared>>)
      tpu.yield
    }) : () -> ()
    %mul3A_20 = arith.constant 640 : i32
    %mul3A_21 = arith.muli %arg1, %mul3A_20 : i32
    %add3A_22 = arith.constant 384 : i32
    %add3A_23 = arith.addi %mul3A_21, %add3A_22 : i32
    "tpu.region"() ({
      %run_scoped3A = tpu.sem_alloc : memref<!tpu.dma_semaphore, #tpu.memory_space<semaphore_mem>>
      %dma_start3A_57 = arith.constant 0 : i32
      %dma_start3A_58 = tpu.memref_slice %arg5[%add3A_23, %dma_start3A_57] : memref<10240x128xf32, #tpu.memory_space<vmem_shared>> -> memref<128x128xf32, #tpu.memory_space<vmem_shared>>
      %dma_start3A_59 = arith.constant 0 : i32
      %dma_start3A_60 = tpu.memref_slice %arg5[%add3A_23, %dma_start3A_59] : memref<10240x128xf32, #tpu.memory_space<vmem_shared>> -> memref<128x128xf32, #tpu.memory_space<vmem_shared>>
      tpu.enqueue_dma source(%arg10 : memref<128x128xf32, #tpu.memory_space<vmem>>) target(%dma_start3A_60 : memref<128x128xf32, #tpu.memory_space<vmem_shared>>) target_semaphore(%run_scoped3A : memref<!tpu.dma_semaphore, #tpu.memory_space<semaphore_mem>>)
      %dma_wait3A = arith.constant 0 : i32
      %dma_wait3A_61 = tpu.memref_slice %arg5[%add3A_23, %dma_wait3A] : memref<10240x128xf32, #tpu.memory_space<vmem_shared>> -> memref<128x128xf32, #tpu.memory_space<vmem_shared>>
      %dma_wait3A_62 = arith.constant 0 : i32
      %dma_wait3A_63 = tpu.memref_slice %arg5[%add3A_23, %dma_wait3A_62] : memref<10240x128xf32, #tpu.memory_space<vmem_shared>> -> memref<128x128xf32, #tpu.memory_space<vmem_shared>>
      tpu.wait_dma2 semaphore(%run_scoped3A : memref<!tpu.dma_semaphore, #tpu.memory_space<semaphore_mem>>) src(%arg10 : memref<128x128xf32, #tpu.memory_space<vmem>>) dst(%dma_wait3A_63 : memref<128x128xf32, #tpu.memory_space<vmem_shared>>)
      tpu.yield
    }) : () -> ()
    %mul3A_24 = arith.constant 640 : i32
    %mul3A_25 = arith.muli %arg1, %mul3A_24 : i32
    %add3A_26 = arith.constant 512 : i32
    %add3A_27 = arith.addi %mul3A_25, %add3A_26 : i32
    "tpu.region"() ({
      %run_scoped3A = tpu.sem_alloc : memref<!tpu.dma_semaphore, #tpu.memory_space<semaphore_mem>>
      %dma_start3A_57 = arith.constant 0 : i32
      %dma_start3A_58 = tpu.memref_slice %arg5[%add3A_27, %dma_start3A_57] : memref<10240x128xf32, #tpu.memory_space<vmem_shared>> -> memref<128x128xf32, #tpu.memory_space<vmem_shared>>
      %dma_start3A_59 = arith.constant 0 : i32
      %dma_start3A_60 = tpu.memref_slice %arg5[%add3A_27, %dma_start3A_59] : memref<10240x128xf32, #tpu.memory_space<vmem_shared>> -> memref<128x128xf32, #tpu.memory_space<vmem_shared>>
      tpu.enqueue_dma source(%arg10 : memref<128x128xf32, #tpu.memory_space<vmem>>) target(%dma_start3A_60 : memref<128x128xf32, #tpu.memory_space<vmem_shared>>) target_semaphore(%run_scoped3A : memref<!tpu.dma_semaphore, #tpu.memory_space<semaphore_mem>>)
      %dma_wait3A = arith.constant 0 : i32
      %dma_wait3A_61 = tpu.memref_slice %arg5[%add3A_27, %dma_wait3A] : memref<10240x128xf32, #tpu.memory_space<vmem_shared>> -> memref<128x128xf32, #tpu.memory_space<vmem_shared>>
      %dma_wait3A_62 = arith.constant 0 : i32
      %dma_wait3A_63 = tpu.memref_slice %arg5[%add3A_27, %dma_wait3A_62] : memref<10240x128xf32, #tpu.memory_space<vmem_shared>> -> memref<128x128xf32, #tpu.memory_space<vmem_shared>>
      tpu.wait_dma2 semaphore(%run_scoped3A : memref<!tpu.dma_semaphore, #tpu.memory_space<semaphore_mem>>) src(%arg10 : memref<128x128xf32, #tpu.memory_space<vmem>>) dst(%dma_wait3A_63 : memref<128x128xf32, #tpu.memory_space<vmem_shared>>)
      tpu.yield
    }) : () -> ()
    %barrier3A = arith.constant 0 : index
    tpu.barrier barrier_id(%barrier3A)
    "tpu.region"() ({
      %run_scoped3A = tpu.sem_alloc : memref<!tpu.dma_semaphore, #tpu.memory_space<semaphore_mem>>
      %dma_start3A_57 = arith.constant 0 : i32
      %dma_start3A_58 = arith.constant 0 : i32
      %dma_start3A_59 = tpu.memref_slice %arg2[%mul3A_2, %dma_start3A_57, %dma_start3A_58] : memref<2560x2x128xi32, #tpu.memory_space<hbm>> -> memref<1x2x128xi32, #tpu.memory_space<hbm>>
      %dma_start3A_60 = tpu.memref_squeeze %dma_start3A_59 : memref<1x2x128xi32, #tpu.memory_space<hbm>> -> memref<2x128xi32, #tpu.memory_space<hbm>>
      %dma_start3A_61 = arith.constant 0 : i32
      %dma_start3A_62 = arith.constant 0 : i32
      %dma_start3A_63 = tpu.memref_slice %arg2[%mul3A_2, %dma_start3A_61, %dma_start3A_62] : memref<2560x2x128xi32, #tpu.memory_space<hbm>> -> memref<1x2x128xi32, #tpu.memory_space<hbm>>
      %dma_start3A_64 = tpu.memref_squeeze %dma_start3A_63 : memref<1x2x128xi32, #tpu.memory_space<hbm>> -> memref<2x128xi32, #tpu.memory_space<hbm>>
      tpu.enqueue_dma source(%dma_start3A_64 : memref<2x128xi32, #tpu.memory_space<hbm>>) target(%arg6 : memref<2x128xi32, #tpu.memory_space<vmem>>) target_semaphore(%run_scoped3A : memref<!tpu.dma_semaphore, #tpu.memory_space<semaphore_mem>>)
      %dma_wait3A = arith.constant 0 : i32
      %dma_wait3A_65 = arith.constant 0 : i32
      %dma_wait3A_66 = tpu.memref_slice %arg2[%mul3A_2, %dma_wait3A, %dma_wait3A_65] : memref<2560x2x128xi32, #tpu.memory_space<hbm>> -> memref<1x2x128xi32, #tpu.memory_space<hbm>>
      %dma_wait3A_67 = tpu.memref_squeeze %dma_wait3A_66 : memref<1x2x128xi32, #tpu.memory_space<hbm>> -> memref<2x128xi32, #tpu.memory_space<hbm>>
      %dma_wait3A_68 = arith.constant 0 : i32
      %dma_wait3A_69 = arith.constant 0 : i32
      %dma_wait3A_70 = tpu.memref_slice %arg2[%mul3A_2, %dma_wait3A_68, %dma_wait3A_69] : memref<2560x2x128xi32, #tpu.memory_space<hbm>> -> memref<1x2x128xi32, #tpu.memory_space<hbm>>
      %dma_wait3A_71 = tpu.memref_squeeze %dma_wait3A_70 : memref<1x2x128xi32, #tpu.memory_space<hbm>> -> memref<2x128xi32, #tpu.memory_space<hbm>>
      tpu.wait_dma2 semaphore(%run_scoped3A : memref<!tpu.dma_semaphore, #tpu.memory_space<semaphore_mem>>) src(%dma_wait3A_71 : memref<2x128xi32, #tpu.memory_space<hbm>>) dst(%arg6 : memref<2x128xi32, #tpu.memory_space<vmem>>)
      tpu.yield
    }) : () -> ()
    %add3A_28 = arith.constant 1 : i32
    %add3A_29 = arith.addi %mul3A_2, %add3A_28 : i32
    "tpu.region"() ({
      %run_scoped3A = tpu.sem_alloc : memref<!tpu.dma_semaphore, #tpu.memory_space<semaphore_mem>>
      %dma_start3A_57 = arith.constant 0 : i32
      %dma_start3A_58 = arith.constant 0 : i32
      %dma_start3A_59 = tpu.memref_slice %arg2[%add3A_29, %dma_start3A_57, %dma_start3A_58] : memref<2560x2x128xi32, #tpu.memory_space<hbm>> -> memref<1x2x128xi32, #tpu.memory_space<hbm>>
      %dma_start3A_60 = tpu.memref_squeeze %dma_start3A_59 : memref<1x2x128xi32, #tpu.memory_space<hbm>> -> memref<2x128xi32, #tpu.memory_space<hbm>>
      %dma_start3A_61 = arith.constant 0 : i32
      %dma_start3A_62 = arith.constant 0 : i32
      %dma_start3A_63 = tpu.memref_slice %arg2[%add3A_29, %dma_start3A_61, %dma_start3A_62] : memref<2560x2x128xi32, #tpu.memory_space<hbm>> -> memref<1x2x128xi32, #tpu.memory_space<hbm>>
      %dma_start3A_64 = tpu.memref_squeeze %dma_start3A_63 : memref<1x2x128xi32, #tpu.memory_space<hbm>> -> memref<2x128xi32, #tpu.memory_space<hbm>>
      tpu.enqueue_dma source(%dma_start3A_64 : memref<2x128xi32, #tpu.memory_space<hbm>>) target(%arg7 : memref<2x128xi32, #tpu.memory_space<vmem>>) target_semaphore(%run_scoped3A : memref<!tpu.dma_semaphore, #tpu.memory_space<semaphore_mem>>)
      %dma_wait3A = arith.constant 0 : i32
      %dma_wait3A_65 = arith.constant 0 : i32
      %dma_wait3A_66 = tpu.memref_slice %arg2[%add3A_29, %dma_wait3A, %dma_wait3A_65] : memref<2560x2x128xi32, #tpu.memory_space<hbm>> -> memref<1x2x128xi32, #tpu.memory_space<hbm>>
      %dma_wait3A_67 = tpu.memref_squeeze %dma_wait3A_66 : memref<1x2x128xi32, #tpu.memory_space<hbm>> -> memref<2x128xi32, #tpu.memory_space<hbm>>
      %dma_wait3A_68 = arith.constant 0 : i32
      %dma_wait3A_69 = arith.constant 0 : i32
      %dma_wait3A_70 = tpu.memref_slice %arg2[%add3A_29, %dma_wait3A_68, %dma_wait3A_69] : memref<2560x2x128xi32, #tpu.memory_space<hbm>> -> memref<1x2x128xi32, #tpu.memory_space<hbm>>
      %dma_wait3A_71 = tpu.memref_squeeze %dma_wait3A_70 : memref<1x2x128xi32, #tpu.memory_space<hbm>> -> memref<2x128xi32, #tpu.memory_space<hbm>>
      tpu.wait_dma2 semaphore(%run_scoped3A : memref<!tpu.dma_semaphore, #tpu.memory_space<semaphore_mem>>) src(%dma_wait3A_71 : memref<2x128xi32, #tpu.memory_space<hbm>>) dst(%arg7 : memref<2x128xi32, #tpu.memory_space<vmem>>)
      tpu.yield
    }) : () -> ()
    %dma_start3A = arith.constant 0 : i32
    %dma_start3A_30 = arith.constant 0 : i32
    %dma_start3A_31 = tpu.memref_slice %arg6[%dma_start3A, %dma_start3A_30] : memref<2x128xi32, #tpu.memory_space<vmem>> -> memref<1x128xi32, #tpu.memory_space<vmem>>
    %dma_start3A_32 = tpu.memref_squeeze %dma_start3A_31 : memref<1x128xi32, #tpu.memory_space<vmem>> -> memref<128xi32, #tpu.memory_space<vmem>>
    %dma_start3A_33 = arith.constant 0 : i32
    %dma_start3A_34 = arith.constant 0 : i32
    %dma_start3A_35 = tpu.memref_slice %arg3[%dma_start3A_33, %dma_start3A_34] : memref<10000x128xbf16, #tpu.memory_space<hbm>> -> memref<10000x128xbf16, #tpu.memory_space<hbm>>
    tpu.enqueue_indirect_dma source(%dma_start3A_35 : memref<10000x128xbf16, #tpu.memory_space<hbm>>) target(%arg8 : memref<128x128xbf16, #tpu.memory_space<vmem>>) offsets(%dma_start3A_32 : memref<128xi32, #tpu.memory_space<vmem>>) semaphore(%arg11 : memref<!tpu.dma_semaphore, #tpu.memory_space<semaphore_mem>>)
    %dma_start3A_36 = arith.constant 0 : i32
    %dma_start3A_37 = arith.constant 0 : i32
    %dma_start3A_38 = tpu.memref_slice %arg7[%dma_start3A_36, %dma_start3A_37] : memref<2x128xi32, #tpu.memory_space<vmem>> -> memref<1x128xi32, #tpu.memory_space<vmem>>
    %dma_start3A_39 = tpu.memref_squeeze %dma_start3A_38 : memref<1x128xi32, #tpu.memory_space<vmem>> -> memref<128xi32, #tpu.memory_space<vmem>>
    %dma_start3A_40 = arith.constant 0 : i32
    %dma_start3A_41 = arith.constant 0 : i32
    %dma_start3A_42 = tpu.memref_slice %arg3[%dma_start3A_40, %dma_start3A_41] : memref<10000x128xbf16, #tpu.memory_space<hbm>> -> memref<10000x128xbf16, #tpu.memory_space<hbm>>
    tpu.enqueue_indirect_dma source(%dma_start3A_42 : memref<10000x128xbf16, #tpu.memory_space<hbm>>) target(%arg9 : memref<128x128xbf16, #tpu.memory_space<vmem>>) offsets(%dma_start3A_39 : memref<128xi32, #tpu.memory_space<vmem>>) semaphore(%arg12 : memref<!tpu.dma_semaphore, #tpu.memory_space<semaphore_mem>>)
    %scan3A_43 = arith.constant 0 : i32
    %scan3A_44 = arith.constant 0 : i32
    %scan3A_45 = arith.constant 40 : i32
    %scan3A_46 = arith.addi %scan3A_44, %scan3A_45 : i32
    %scan3A_47 = arith.constant 1 : i32
    scf.for %scan3A_57 = %scan3A_44 to %scan3A_46 step %scan3A_47  : i32 {
      %mul3A_58 = arith.constant 2 : i32
      %mul3A_59 = arith.muli %mul3A_58, %scan3A_57 : i32
      %add3A_60 = arith.addi %mul3A_2, %mul3A_59 : i32
      %dma_wait3A = arith.constant 0 : i32
      %dma_wait3A_61 = arith.constant 0 : i32
      %dma_wait3A_62 = tpu.memref_slice %arg6[%dma_wait3A, %dma_wait3A_61] : memref<2x128xi32, #tpu.memory_space<vmem>> -> memref<1x128xi32, #tpu.memory_space<vmem>>
      %dma_wait3A_63 = tpu.memref_squeeze %dma_wait3A_62 : memref<1x128xi32, #tpu.memory_space<vmem>> -> memref<128xi32, #tpu.memory_space<vmem>>
      %dma_wait3A_64 = arith.constant 0 : i32
      %dma_wait3A_65 = arith.constant 0 : i32
      %dma_wait3A_66 = tpu.memref_slice %arg3[%dma_wait3A_64, %dma_wait3A_65] : memref<10000x128xbf16, #tpu.memory_space<hbm>> -> memref<10000x128xbf16, #tpu.memory_space<hbm>>
      tpu.wait_indirect_dma semaphore(%arg11 : memref<!tpu.dma_semaphore, #tpu.memory_space<semaphore_mem>>) src(%dma_wait3A_66 : memref<10000x128xbf16, #tpu.memory_space<hbm>>) dst(%arg8 : memref<128x128xbf16, #tpu.memory_space<vmem>>)
      %scan3A_67 = arith.constant 0 : i32
      %scan3A_68 = arith.constant 0 : i32
      %scan3A_69 = arith.constant 128 : i32
      %scan3A_70 = arith.addi %scan3A_68, %scan3A_69 : i32
      %scan3A_71 = arith.constant 1 : i32
      scf.for %scan3A_121 = %scan3A_68 to %scan3A_70 step %scan3A_71  : i32 {
        %get3A = arith.index_cast %scan3A_121 : i32 to index
        %get3A_122 = arith.constant 0 : index
        %get3A_123 = tpu.vector_load %arg8[%get3A, %get3A_122] {strides = array<i32>} : memref<128x128xbf16, #tpu.memory_space<vmem>>, vector<32xbf16>,
        %bitcast3A = vector.bitcast %get3A_123 : vector<32xbf16> to vector<16xi32>
        %shift_left3A = arith.constant 16 : i32
        %shift_left3A_124 = vector.broadcast %shift_left3A : i32 to vector<16xi32>
        %shift_left3A_125 = arith.shli %bitcast3A, %shift_left3A_124 : vector<16xi32>
        %bitcast3A_126 = vector.bitcast %shift_left3A_125 : vector<16xi32> to vector<16xf32>
        %and3A = arith.constant -65536 : i32
        %and3A_127 = vector.broadcast %and3A : i32 to vector<16xi32>
        %and3A_128 = arith.andi %bitcast3A, %and3A_127 : vector<16xi32>
        %bitcast3A_129 = vector.bitcast %and3A_128 : vector<16xi32> to vector<16xf32>
        %swap3A = arith.index_cast %scan3A_121 : i32 to index
        %swap3A_130 = arith.constant 0 : index
        %swap3A_131 = tpu.vector_load %arg10[%swap3A, %swap3A_130] {strides = array<i32>} : memref<128x128xf32, #tpu.memory_space<vmem>>, vector<16xf32>,
        tpu.vector_store %arg10[%swap3A, %swap3A_130], %bitcast3A_126 {strides = array<i32>} : memref<128x128xf32, #tpu.memory_space<vmem>>, vector<16xf32>,
        %swap3A_132 = arith.index_cast %scan3A_121 : i32 to index
        %swap3A_133 = arith.constant 16 : index
        %swap3A_134 = tpu.vector_load %arg10[%swap3A_132, %swap3A_133] {strides = array<i32>} : memref<128x128xf32, #tpu.memory_space<vmem>>, vector<16xf32>,
        tpu.vector_store %arg10[%swap3A_132, %swap3A_133], %bitcast3A_129 {strides = array<i32>} : memref<128x128xf32, #tpu.memory_space<vmem>>, vector<16xf32>,
        %get3A_135 = arith.index_cast %scan3A_121 : i32 to index
        %get3A_136 = arith.constant 32 : index
        %get3A_137 = tpu.vector_load %arg8[%get3A_135, %get3A_136] {strides = array<i32>} : memref<128x128xbf16, #tpu.memory_space<vmem>>, vector<32xbf16>,
        %bitcast3A_138 = vector.bitcast %get3A_137 : vector<32xbf16> to vector<16xi32>
        %shift_left3A_139 = arith.constant 16 : i32
        %shift_left3A_140 = vector.broadcast %shift_left3A_139 : i32 to vector<16xi32>
        %shift_left3A_141 = arith.shli %bitcast3A_138, %shift_left3A_140 : vector<16xi32>
        %bitcast3A_142 = vector.bitcast %shift_left3A_141 : vector<16xi32> to vector<16xf32>
        %and3A_143 = arith.constant -65536 : i32
        %and3A_144 = vector.broadcast %and3A_143 : i32 to vector<16xi32>
        %and3A_145 = arith.andi %bitcast3A_138, %and3A_144 : vector<16xi32>
        %bitcast3A_146 = vector.bitcast %and3A_145 : vector<16xi32> to vector<16xf32>
        %swap3A_147 = arith.index_cast %scan3A_121 : i32 to index
        %swap3A_148 = arith.constant 32 : index
        %swap3A_149 = tpu.vector_load %arg10[%swap3A_147, %swap3A_148] {strides = array<i32>} : memref<128x128xf32, #tpu.memory_space<vmem>>, vector<16xf32>,
        tpu.vector_store %arg10[%swap3A_147, %swap3A_148], %bitcast3A_142 {strides = array<i32>} : memref<128x128xf32, #tpu.memory_space<vmem>>, vector<16xf32>,
        %swap3A_150 = arith.index_cast %scan3A_121 : i32 to index
        %swap3A_151 = arith.constant 48 : index
        %swap3A_152 = tpu.vector_load %arg10[%swap3A_150, %swap3A_151] {strides = array<i32>} : memref<128x128xf32, #tpu.memory_space<vmem>>, vector<16xf32>,
        tpu.vector_store %arg10[%swap3A_150, %swap3A_151], %bitcast3A_146 {strides = array<i32>} : memref<128x128xf32, #tpu.memory_space<vmem>>, vector<16xf32>,
        %get3A_153 = arith.index_cast %scan3A_121 : i32 to index
        %get3A_154 = arith.constant 64 : index
        %get3A_155 = tpu.vector_load %arg8[%get3A_153, %get3A_154] {strides = array<i32>} : memref<128x128xbf16, #tpu.memory_space<vmem>>, vector<32xbf16>,
        %bitcast3A_156 = vector.bitcast %get3A_155 : vector<32xbf16> to vector<16xi32>
        %shift_left3A_157 = arith.constant 16 : i32
        %shift_left3A_158 = vector.broadcast %shift_left3A_157 : i32 to vector<16xi32>
        %shift_left3A_159 = arith.shli %bitcast3A_156, %shift_left3A_158 : vector<16xi32>
        %bitcast3A_160 = vector.bitcast %shift_left3A_159 : vector<16xi32> to vector<16xf32>
        %and3A_161 = arith.constant -65536 : i32
        %and3A_162 = vector.broadcast %and3A_161 : i32 to vector<16xi32>
        %and3A_163 = arith.andi %bitcast3A_156, %and3A_162 : vector<16xi32>
        %bitcast3A_164 = vector.bitcast %and3A_163 : vector<16xi32> to vector<16xf32>
        %swap3A_165 = arith.index_cast %scan3A_121 : i32 to index
        %swap3A_166 = arith.constant 64 : index
        %swap3A_167 = tpu.vector_load %arg10[%swap3A_165, %swap3A_166] {strides = array<i32>} : memref<128x128xf32, #tpu.memory_space<vmem>>, vector<16xf32>,
        tpu.vector_store %arg10[%swap3A_165, %swap3A_166], %bitcast3A_160 {strides = array<i32>} : memref<128x128xf32, #tpu.memory_space<vmem>>, vector<16xf32>,
        %swap3A_168 = arith.index_cast %scan3A_121 : i32 to index
        %swap3A_169 = arith.constant 80 : index
        %swap3A_170 = tpu.vector_load %arg10[%swap3A_168, %swap3A_169] {strides = array<i32>} : memref<128x128xf32, #tpu.memory_space<vmem>>, vector<16xf32>,
        tpu.vector_store %arg10[%swap3A_168, %swap3A_169], %bitcast3A_164 {strides = array<i32>} : memref<128x128xf32, #tpu.memory_space<vmem>>, vector<16xf32>,
        %get3A_171 = arith.index_cast %scan3A_121 : i32 to index
        %get3A_172 = arith.constant 96 : index
        %get3A_173 = tpu.vector_load %arg8[%get3A_171, %get3A_172] {strides = array<i32>} : memref<128x128xbf16, #tpu.memory_space<vmem>>, vector<32xbf16>,
        %bitcast3A_174 = vector.bitcast %get3A_173 : vector<32xbf16> to vector<16xi32>
        %shift_left3A_175 = arith.constant 16 : i32
        %shift_left3A_176 = vector.broadcast %shift_left3A_175 : i32 to vector<16xi32>
        %shift_left3A_177 = arith.shli %bitcast3A_174, %shift_left3A_176 : vector<16xi32>
        %bitcast3A_178 = vector.bitcast %shift_left3A_177 : vector<16xi32> to vector<16xf32>
        %and3A_179 = arith.constant -65536 : i32
        %and3A_180 = vector.broadcast %and3A_179 : i32 to vector<16xi32>
        %and3A_181 = arith.andi %bitcast3A_174, %and3A_180 : vector<16xi32>
        %bitcast3A_182 = vector.bitcast %and3A_181 : vector<16xi32> to vector<16xf32>
        %swap3A_183 = arith.index_cast %scan3A_121 : i32 to index
        %swap3A_184 = arith.constant 96 : index
        %swap3A_185 = tpu.vector_load %arg10[%swap3A_183, %swap3A_184] {strides = array<i32>} : memref<128x128xf32, #tpu.memory_space<vmem>>, vector<16xf32>,
        tpu.vector_store %arg10[%swap3A_183, %swap3A_184], %bitcast3A_178 {strides = array<i32>} : memref<128x128xf32, #tpu.memory_space<vmem>>, vector<16xf32>,
        %swap3A_186 = arith.index_cast %scan3A_121 : i32 to index
        %swap3A_187 = arith.constant 112 : index
        %swap3A_188 = tpu.vector_load %arg10[%swap3A_186, %swap3A_187] {strides = array<i32>} : memref<128x128xf32, #tpu.memory_space<vmem>>, vector<16xf32>,
        tpu.vector_store %arg10[%swap3A_186, %swap3A_187], %bitcast3A_182 {strides = array<i32>} : memref<128x128xf32, #tpu.memory_space<vmem>>, vector<16xf32>,
      }
      %scan3A_72 = arith.constant 128 : i32
      %dma_start3A_73 = arith.constant 1 : i32
      %dma_start3A_74 = arith.constant 0 : i32
      %dma_start3A_75 = tpu.memref_slice %arg6[%dma_start3A_73, %dma_start3A_74] : memref<2x128xi32, #tpu.memory_space<vmem>> -> memref<1x128xi32, #tpu.memory_space<vmem>>
      %dma_start3A_76 = tpu.memref_squeeze %dma_start3A_75 : memref<1x128xi32, #tpu.memory_space<vmem>> -> memref<128xi32, #tpu.memory_space<vmem>>
      %dma_start3A_77 = arith.constant 0 : i32
      %dma_start3A_78 = arith.constant 0 : i32
      %dma_start3A_79 = tpu.memref_slice %arg5[%dma_start3A_77, %dma_start3A_78] : memref<10240x128xf32, #tpu.memory_space<vmem_shared>> -> memref<10240x128xf32, #tpu.memory_space<vmem_shared>>
      tpu.enqueue_indirect_dma source(%arg10 : memref<128x128xf32, #tpu.memory_space<vmem>>) target(%dma_start3A_79 : memref<10240x128xf32, #tpu.memory_space<vmem_shared>>) offsets(%dma_start3A_76 : memref<128xi32, #tpu.memory_space<vmem>>) semaphore(%arg13 : memref<!tpu.dma_semaphore, #tpu.memory_space<semaphore_mem>>) {add = true}
      %dma_wait3A_80 = arith.constant 1 : i32
      %dma_wait3A_81 = arith.constant 0 : i32
      %dma_wait3A_82 = tpu.memref_slice %arg6[%dma_wait3A_80, %dma_wait3A_81] : memref<2x128xi32, #tpu.memory_space<vmem>> -> memref<1x128xi32, #tpu.memory_space<vmem>>
      %dma_wait3A_83 = tpu.memref_squeeze %dma_wait3A_82 : memref<1x128xi32, #tpu.memory_space<vmem>> -> memref<128xi32, #tpu.memory_space<vmem>>
      %dma_wait3A_84 = arith.constant 0 : i32
      %dma_wait3A_85 = arith.constant 0 : i32
      %dma_wait3A_86 = tpu.memref_slice %arg5[%dma_wait3A_84, %dma_wait3A_85] : memref<10240x128xf32, #tpu.memory_space<vmem_shared>> -> memref<10240x128xf32, #tpu.memory_space<vmem_shared>>
      tpu.wait_indirect_dma semaphore(%arg13 : memref<!tpu.dma_semaphore, #tpu.memory_space<semaphore_mem>>) src(%arg10 : memref<128x128xf32, #tpu.memory_space<vmem>>) dst(%dma_wait3A_86 : memref<10240x128xf32, #tpu.memory_space<vmem_shared>>)
      %lt3A = arith.constant 39 : i32
      %lt3A_87 = arith.cmpi slt, %scan3A_57, %lt3A : i32
      %convert_element_type3A = arith.extui %lt3A_87 : i1 to i32
      %cond3A = arith.constant 0 : i32
      %cond3A_88 = arith.cmpi ne, %convert_element_type3A, %cond3A : i32
      scf.if %cond3A_88 {
        %add3A_121 = arith.constant 2 : i32
        %add3A_122 = arith.addi %add3A_60, %add3A_121 : i32
        "tpu.region"() ({
          %run_scoped3A = tpu.sem_alloc : memref<!tpu.dma_semaphore, #tpu.memory_space<semaphore_mem>>
          %dma_start3A_130 = arith.constant 0 : i32
          %dma_start3A_131 = arith.constant 0 : i32
          %dma_start3A_132 = tpu.memref_slice %arg2[%add3A_122, %dma_start3A_130, %dma_start3A_131] : memref<2560x2x128xi32, #tpu.memory_space<hbm>> -> memref<1x2x128xi32, #tpu.memory_space<hbm>>
          %dma_start3A_133 = tpu.memref_squeeze %dma_start3A_132 : memref<1x2x128xi32, #tpu.memory_space<hbm>> -> memref<2x128xi32, #tpu.memory_space<hbm>>
          %dma_start3A_134 = arith.constant 0 : i32
          %dma_start3A_135 = arith.constant 0 : i32
          %dma_start3A_136 = tpu.memref_slice %arg2[%add3A_122, %dma_start3A_134, %dma_start3A_135] : memref<2560x2x128xi32, #tpu.memory_space<hbm>> -> memref<1x2x128xi32, #tpu.memory_space<hbm>>
          %dma_start3A_137 = tpu.memref_squeeze %dma_start3A_136 : memref<1x2x128xi32, #tpu.memory_space<hbm>> -> memref<2x128xi32, #tpu.memory_space<hbm>>
          tpu.enqueue_dma source(%dma_start3A_137 : memref<2x128xi32, #tpu.memory_space<hbm>>) target(%arg6 : memref<2x128xi32, #tpu.memory_space<vmem>>) target_semaphore(%run_scoped3A : memref<!tpu.dma_semaphore, #tpu.memory_space<semaphore_mem>>)
          %dma_wait3A_138 = arith.constant 0 : i32
          %dma_wait3A_139 = arith.constant 0 : i32
          %dma_wait3A_140 = tpu.memref_slice %arg2[%add3A_122, %dma_wait3A_138, %dma_wait3A_139] : memref<2560x2x128xi32, #tpu.memory_space<hbm>> -> memref<1x2x128xi32, #tpu.memory_space<hbm>>
          %dma_wait3A_141 = tpu.memref_squeeze %dma_wait3A_140 : memref<1x2x128xi32, #tpu.memory_space<hbm>> -> memref<2x128xi32, #tpu.memory_space<hbm>>
          %dma_wait3A_142 = arith.constant 0 : i32
          %dma_wait3A_143 = arith.constant 0 : i32
          %dma_wait3A_144 = tpu.memref_slice %arg2[%add3A_122, %dma_wait3A_142, %dma_wait3A_143] : memref<2560x2x128xi32, #tpu.memory_space<hbm>> -> memref<1x2x128xi32, #tpu.memory_space<hbm>>
          %dma_wait3A_145 = tpu.memref_squeeze %dma_wait3A_144 : memref<1x2x128xi32, #tpu.memory_space<hbm>> -> memref<2x128xi32, #tpu.memory_space<hbm>>
          tpu.wait_dma2 semaphore(%run_scoped3A : memref<!tpu.dma_semaphore, #tpu.memory_space<semaphore_mem>>) src(%dma_wait3A_145 : memref<2x128xi32, #tpu.memory_space<hbm>>) dst(%arg6 : memref<2x128xi32, #tpu.memory_space<vmem>>)
          tpu.yield
        }) : () -> ()
        %dma_start3A_123 = arith.constant 0 : i32
        %dma_start3A_124 = arith.constant 0 : i32
        %dma_start3A_125 = tpu.memref_slice %arg6[%dma_start3A_123, %dma_start3A_124] : memref<2x128xi32, #tpu.memory_space<vmem>> -> memref<1x128xi32, #tpu.memory_space<vmem>>
        %dma_start3A_126 = tpu.memref_squeeze %dma_start3A_125 : memref<1x128xi32, #tpu.memory_space<vmem>> -> memref<128xi32, #tpu.memory_space<vmem>>
        %dma_start3A_127 = arith.constant 0 : i32
        %dma_start3A_128 = arith.constant 0 : i32
        %dma_start3A_129 = tpu.memref_slice %arg3[%dma_start3A_127, %dma_start3A_128] : memref<10000x128xbf16, #tpu.memory_space<hbm>> -> memref<10000x128xbf16, #tpu.memory_space<hbm>>
        tpu.enqueue_indirect_dma source(%dma_start3A_129 : memref<10000x128xbf16, #tpu.memory_space<hbm>>) target(%arg8 : memref<128x128xbf16, #tpu.memory_space<vmem>>) offsets(%dma_start3A_126 : memref<128xi32, #tpu.memory_space<vmem>>) semaphore(%arg11 : memref<!tpu.dma_semaphore, #tpu.memory_space<semaphore_mem>>)
      } else {
      }
      %dma_wait3A_89 = arith.constant 0 : i32
      %dma_wait3A_90 = arith.constant 0 : i32
      %dma_wait3A_91 = tpu.memref_slice %arg7[%dma_wait3A_89, %dma_wait3A_90] : memref<2x128xi32, #tpu.memory_space<vmem>> -> memref<1x128xi32, #tpu.memory_space<vmem>>
      %dma_wait3A_92 = tpu.memref_squeeze %dma_wait3A_91 : memref<1x128xi32, #tpu.memory_space<vmem>> -> memref<128xi32, #tpu.memory_space<vmem>>
      %dma_wait3A_93 = arith.constant 0 : i32
      %dma_wait3A_94 = arith.constant 0 : i32
      %dma_wait3A_95 = tpu.memref_slice %arg3[%dma_wait3A_93, %dma_wait3A_94] : memref<10000x128xbf16, #tpu.memory_space<hbm>> -> memref<10000x128xbf16, #tpu.memory_space<hbm>>
      tpu.wait_indirect_dma semaphore(%arg12 : memref<!tpu.dma_semaphore, #tpu.memory_space<semaphore_mem>>) src(%dma_wait3A_95 : memref<10000x128xbf16, #tpu.memory_space<hbm>>) dst(%arg9 : memref<128x128xbf16, #tpu.memory_space<vmem>>)
      %scan3A_96 = arith.constant 0 : i32
      %scan3A_97 = arith.constant 0 : i32
      %scan3A_98 = arith.constant 128 : i32
      %scan3A_99 = arith.addi %scan3A_97, %scan3A_98 : i32
      %scan3A_100 = arith.constant 1 : i32
      scf.for %scan3A_121 = %scan3A_97 to %scan3A_99 step %scan3A_100  : i32 {
        %get3A = arith.index_cast %scan3A_121 : i32 to index
        %get3A_122 = arith.constant 0 : index
        %get3A_123 = tpu.vector_load %arg9[%get3A, %get3A_122] {strides = array<i32>} : memref<128x128xbf16, #tpu.memory_space<vmem>>, vector<32xbf16>,
        %bitcast3A = vector.bitcast %get3A_123 : vector<32xbf16> to vector<16xi32>
        %shift_left3A = arith.constant 16 : i32
        %shift_left3A_124 = vector.broadcast %shift_left3A : i32 to vector<16xi32>
        %shift_left3A_125 = arith.shli %bitcast3A, %shift_left3A_124 : vector<16xi32>
        %bitcast3A_126 = vector.bitcast %shift_left3A_125 : vector<16xi32> to vector<16xf32>
        %and3A = arith.constant -65536 : i32
        %and3A_127 = vector.broadcast %and3A : i32 to vector<16xi32>
        %and3A_128 = arith.andi %bitcast3A, %and3A_127 : vector<16xi32>
        %bitcast3A_129 = vector.bitcast %and3A_128 : vector<16xi32> to vector<16xf32>
        %swap3A = arith.index_cast %scan3A_121 : i32 to index
        %swap3A_130 = arith.constant 0 : index
        %swap3A_131 = tpu.vector_load %arg10[%swap3A, %swap3A_130] {strides = array<i32>} : memref<128x128xf32, #tpu.memory_space<vmem>>, vector<16xf32>,
        tpu.vector_store %arg10[%swap3A, %swap3A_130], %bitcast3A_126 {strides = array<i32>} : memref<128x128xf32, #tpu.memory_space<vmem>>, vector<16xf32>,
        %swap3A_132 = arith.index_cast %scan3A_121 : i32 to index
        %swap3A_133 = arith.constant 16 : index
        %swap3A_134 = tpu.vector_load %arg10[%swap3A_132, %swap3A_133] {strides = array<i32>} : memref<128x128xf32, #tpu.memory_space<vmem>>, vector<16xf32>,
        tpu.vector_store %arg10[%swap3A_132, %swap3A_133], %bitcast3A_129 {strides = array<i32>} : memref<128x128xf32, #tpu.memory_space<vmem>>, vector<16xf32>,
        %get3A_135 = arith.index_cast %scan3A_121 : i32 to index
        %get3A_136 = arith.constant 32 : index
        %get3A_137 = tpu.vector_load %arg9[%get3A_135, %get3A_136] {strides = array<i32>} : memref<128x128xbf16, #tpu.memory_space<vmem>>, vector<32xbf16>,
        %bitcast3A_138 = vector.bitcast %get3A_137 : vector<32xbf16> to vector<16xi32>
        %shift_left3A_139 = arith.constant 16 : i32
        %shift_left3A_140 = vector.broadcast %shift_left3A_139 : i32 to vector<16xi32>
        %shift_left3A_141 = arith.shli %bitcast3A_138, %shift_left3A_140 : vector<16xi32>
        %bitcast3A_142 = vector.bitcast %shift_left3A_141 : vector<16xi32> to vector<16xf32>
        %and3A_143 = arith.constant -65536 : i32
        %and3A_144 = vector.broadcast %and3A_143 : i32 to vector<16xi32>
        %and3A_145 = arith.andi %bitcast3A_138, %and3A_144 : vector<16xi32>
        %bitcast3A_146 = vector.bitcast %and3A_145 : vector<16xi32> to vector<16xf32>
        %swap3A_147 = arith.index_cast %scan3A_121 : i32 to index
        %swap3A_148 = arith.constant 32 : index
        %swap3A_149 = tpu.vector_load %arg10[%swap3A_147, %swap3A_148] {strides = array<i32>} : memref<128x128xf32, #tpu.memory_space<vmem>>, vector<16xf32>,
        tpu.vector_store %arg10[%swap3A_147, %swap3A_148], %bitcast3A_142 {strides = array<i32>} : memref<128x128xf32, #tpu.memory_space<vmem>>, vector<16xf32>,
        %swap3A_150 = arith.index_cast %scan3A_121 : i32 to index
        %swap3A_151 = arith.constant 48 : index
        %swap3A_152 = tpu.vector_load %arg10[%swap3A_150, %swap3A_151] {strides = array<i32>} : memref<128x128xf32, #tpu.memory_space<vmem>>, vector<16xf32>,
        tpu.vector_store %arg10[%swap3A_150, %swap3A_151], %bitcast3A_146 {strides = array<i32>} : memref<128x128xf32, #tpu.memory_space<vmem>>, vector<16xf32>,
        %get3A_153 = arith.index_cast %scan3A_121 : i32 to index
        %get3A_154 = arith.constant 64 : index
        %get3A_155 = tpu.vector_load %arg9[%get3A_153, %get3A_154] {strides = array<i32>} : memref<128x128xbf16, #tpu.memory_space<vmem>>, vector<32xbf16>,
        %bitcast3A_156 = vector.bitcast %get3A_155 : vector<32xbf16> to vector<16xi32>
        %shift_left3A_157 = arith.constant 16 : i32
        %shift_left3A_158 = vector.broadcast %shift_left3A_157 : i32 to vector<16xi32>
        %shift_left3A_159 = arith.shli %bitcast3A_156, %shift_left3A_158 : vector<16xi32>
        %bitcast3A_160 = vector.bitcast %shift_left3A_159 : vector<16xi32> to vector<16xf32>
        %and3A_161 = arith.constant -65536 : i32
        %and3A_162 = vector.broadcast %and3A_161 : i32 to vector<16xi32>
        %and3A_163 = arith.andi %bitcast3A_156, %and3A_162 : vector<16xi32>
        %bitcast3A_164 = vector.bitcast %and3A_163 : vector<16xi32> to vector<16xf32>
        %swap3A_165 = arith.index_cast %scan3A_121 : i32 to index
        %swap3A_166 = arith.constant 64 : index
        %swap3A_167 = tpu.vector_load %arg10[%swap3A_165, %swap3A_166] {strides = array<i32>} : memref<128x128xf32, #tpu.memory_space<vmem>>, vector<16xf32>,
        tpu.vector_store %arg10[%swap3A_165, %swap3A_166], %bitcast3A_160 {strides = array<i32>} : memref<128x128xf32, #tpu.memory_space<vmem>>, vector<16xf32>,
        %swap3A_168 = arith.index_cast %scan3A_121 : i32 to index
        %swap3A_169 = arith.constant 80 : index
        %swap3A_170 = tpu.vector_load %arg10[%swap3A_168, %swap3A_169] {strides = array<i32>} : memref<128x128xf32, #tpu.memory_space<vmem>>, vector<16xf32>,
        tpu.vector_store %arg10[%swap3A_168, %swap3A_169], %bitcast3A_164 {strides = array<i32>} : memref<128x128xf32, #tpu.memory_space<vmem>>, vector<16xf32>,
        %get3A_171 = arith.index_cast %scan3A_121 : i32 to index
        %get3A_172 = arith.constant 96 : index
        %get3A_173 = tpu.vector_load %arg9[%get3A_171, %get3A_172] {strides = array<i32>} : memref<128x128xbf16, #tpu.memory_space<vmem>>, vector<32xbf16>,
        %bitcast3A_174 = vector.bitcast %get3A_173 : vector<32xbf16> to vector<16xi32>
        %shift_left3A_175 = arith.constant 16 : i32
        %shift_left3A_176 = vector.broadcast %shift_left3A_175 : i32 to vector<16xi32>
        %shift_left3A_177 = arith.shli %bitcast3A_174, %shift_left3A_176 : vector<16xi32>
        %bitcast3A_178 = vector.bitcast %shift_left3A_177 : vector<16xi32> to vector<16xf32>
        %and3A_179 = arith.constant -65536 : i32
        %and3A_180 = vector.broadcast %and3A_179 : i32 to vector<16xi32>
        %and3A_181 = arith.andi %bitcast3A_174, %and3A_180 : vector<16xi32>
        %bitcast3A_182 = vector.bitcast %and3A_181 : vector<16xi32> to vector<16xf32>
        %swap3A_183 = arith.index_cast %scan3A_121 : i32 to index
        %swap3A_184 = arith.constant 96 : index
        %swap3A_185 = tpu.vector_load %arg10[%swap3A_183, %swap3A_184] {strides = array<i32>} : memref<128x128xf32, #tpu.memory_space<vmem>>, vector<16xf32>,
        tpu.vector_store %arg10[%swap3A_183, %swap3A_184], %bitcast3A_178 {strides = array<i32>} : memref<128x128xf32, #tpu.memory_space<vmem>>, vector<16xf32>,
        %swap3A_186 = arith.index_cast %scan3A_121 : i32 to index
        %swap3A_187 = arith.constant 112 : index
        %swap3A_188 = tpu.vector_load %arg10[%swap3A_186, %swap3A_187] {strides = array<i32>} : memref<128x128xf32, #tpu.memory_space<vmem>>, vector<16xf32>,
        tpu.vector_store %arg10[%swap3A_186, %swap3A_187], %bitcast3A_182 {strides = array<i32>} : memref<128x128xf32, #tpu.memory_space<vmem>>, vector<16xf32>,
      }
      %scan3A_101 = arith.constant 128 : i32
      %dma_start3A_102 = arith.constant 1 : i32
      %dma_start3A_103 = arith.constant 0 : i32
      %dma_start3A_104 = tpu.memref_slice %arg7[%dma_start3A_102, %dma_start3A_103] : memref<2x128xi32, #tpu.memory_space<vmem>> -> memref<1x128xi32, #tpu.memory_space<vmem>>
      %dma_start3A_105 = tpu.memref_squeeze %dma_start3A_104 : memref<1x128xi32, #tpu.memory_space<vmem>> -> memref<128xi32, #tpu.memory_space<vmem>>
      %dma_start3A_106 = arith.constant 0 : i32
      %dma_start3A_107 = arith.constant 0 : i32
      %dma_start3A_108 = tpu.memref_slice %arg5[%dma_start3A_106, %dma_start3A_107] : memref<10240x128xf32, #tpu.memory_space<vmem_shared>> -> memref<10240x128xf32, #tpu.memory_space<vmem_shared>>
      tpu.enqueue_indirect_dma source(%arg10 : memref<128x128xf32, #tpu.memory_space<vmem>>) target(%dma_start3A_108 : memref<10240x128xf32, #tpu.memory_space<vmem_shared>>) offsets(%dma_start3A_105 : memref<128xi32, #tpu.memory_space<vmem>>) semaphore(%arg13 : memref<!tpu.dma_semaphore, #tpu.memory_space<semaphore_mem>>) {add = true}
      %dma_wait3A_109 = arith.constant 1 : i32
      %dma_wait3A_110 = arith.constant 0 : i32
      %dma_wait3A_111 = tpu.memref_slice %arg7[%dma_wait3A_109, %dma_wait3A_110] : memref<2x128xi32, #tpu.memory_space<vmem>> -> memref<1x128xi32, #tpu.memory_space<vmem>>
      %dma_wait3A_112 = tpu.memref_squeeze %dma_wait3A_111 : memref<1x128xi32, #tpu.memory_space<vmem>> -> memref<128xi32, #tpu.memory_space<vmem>>
      %dma_wait3A_113 = arith.constant 0 : i32
      %dma_wait3A_114 = arith.constant 0 : i32
      %dma_wait3A_115 = tpu.memref_slice %arg5[%dma_wait3A_113, %dma_wait3A_114] : memref<10240x128xf32, #tpu.memory_space<vmem_shared>> -> memref<10240x128xf32, #tpu.memory_space<vmem_shared>>
      tpu.wait_indirect_dma semaphore(%arg13 : memref<!tpu.dma_semaphore, #tpu.memory_space<semaphore_mem>>) src(%arg10 : memref<128x128xf32, #tpu.memory_space<vmem>>) dst(%dma_wait3A_115 : memref<10240x128xf32, #tpu.memory_space<vmem_shared>>)
      %lt3A_116 = arith.constant 39 : i32
      %lt3A_117 = arith.cmpi slt, %scan3A_57, %lt3A_116 : i32
      %convert_element_type3A_118 = arith.extui %lt3A_117 : i1 to i32
      %cond3A_119 = arith.constant 0 : i32
      %cond3A_120 = arith.cmpi ne, %convert_element_type3A_118, %cond3A_119 : i32
      scf.if %cond3A_120 {
        %add3A_121 = arith.constant 3 : i32
        %add3A_122 = arith.addi %add3A_60, %add3A_121 : i32
        "tpu.region"() ({
          %run_scoped3A = tpu.sem_alloc : memref<!tpu.dma_semaphore, #tpu.memory_space<semaphore_mem>>
          %dma_start3A_130 = arith.constant 0 : i32
          %dma_start3A_131 = arith.constant 0 : i32
          %dma_start3A_132 = tpu.memref_slice %arg2[%add3A_122, %dma_start3A_130, %dma_start3A_131] : memref<2560x2x128xi32, #tpu.memory_space<hbm>> -> memref<1x2x128xi32, #tpu.memory_space<hbm>>
          %dma_start3A_133 = tpu.memref_squeeze %dma_start3A_132 : memref<1x2x128xi32, #tpu.memory_space<hbm>> -> memref<2x128xi32, #tpu.memory_space<hbm>>
          %dma_start3A_134 = arith.constant 0 : i32
          %dma_start3A_135 = arith.constant 0 : i32
          %dma_start3A_136 = tpu.memref_slice %arg2[%add3A_122, %dma_start3A_134, %dma_start3A_135] : memref<2560x2x128xi32, #tpu.memory_space<hbm>> -> memref<1x2x128xi32, #tpu.memory_space<hbm>>
          %dma_start3A_137 = tpu.memref_squeeze %dma_start3A_136 : memref<1x2x128xi32, #tpu.memory_space<hbm>> -> memref<2x128xi32, #tpu.memory_space<hbm>>
          tpu.enqueue_dma source(%dma_start3A_137 : memref<2x128xi32, #tpu.memory_space<hbm>>) target(%arg7 : memref<2x128xi32, #tpu.memory_space<vmem>>) target_semaphore(%run_scoped3A : memref<!tpu.dma_semaphore, #tpu.memory_space<semaphore_mem>>)
          %dma_wait3A_138 = arith.constant 0 : i32
          %dma_wait3A_139 = arith.constant 0 : i32
          %dma_wait3A_140 = tpu.memref_slice %arg2[%add3A_122, %dma_wait3A_138, %dma_wait3A_139] : memref<2560x2x128xi32, #tpu.memory_space<hbm>> -> memref<1x2x128xi32, #tpu.memory_space<hbm>>
          %dma_wait3A_141 = tpu.memref_squeeze %dma_wait3A_140 : memref<1x2x128xi32, #tpu.memory_space<hbm>> -> memref<2x128xi32, #tpu.memory_space<hbm>>
          %dma_wait3A_142 = arith.constant 0 : i32
          %dma_wait3A_143 = arith.constant 0 : i32
          %dma_wait3A_144 = tpu.memref_slice %arg2[%add3A_122, %dma_wait3A_142, %dma_wait3A_143] : memref<2560x2x128xi32, #tpu.memory_space<hbm>> -> memref<1x2x128xi32, #tpu.memory_space<hbm>>
          %dma_wait3A_145 = tpu.memref_squeeze %dma_wait3A_144 : memref<1x2x128xi32, #tpu.memory_space<hbm>> -> memref<2x128xi32, #tpu.memory_space<hbm>>
          tpu.wait_dma2 semaphore(%run_scoped3A : memref<!tpu.dma_semaphore, #tpu.memory_space<semaphore_mem>>) src(%dma_wait3A_145 : memref<2x128xi32, #tpu.memory_space<hbm>>) dst(%arg7 : memref<2x128xi32, #tpu.memory_space<vmem>>)
          tpu.yield
        }) : () -> ()
        %dma_start3A_123 = arith.constant 0 : i32
        %dma_start3A_124 = arith.constant 0 : i32
        %dma_start3A_125 = tpu.memref_slice %arg7[%dma_start3A_123, %dma_start3A_124] : memref<2x128xi32, #tpu.memory_space<vmem>> -> memref<1x128xi32, #tpu.memory_space<vmem>>
        %dma_start3A_126 = tpu.memref_squeeze %dma_start3A_125 : memref<1x128xi32, #tpu.memory_space<vmem>> -> memref<128xi32, #tpu.memory_space<vmem>>
        %dma_start3A_127 = arith.constant 0 : i32
        %dma_start3A_128 = arith.constant 0 : i32
        %dma_start3A_129 = tpu.memref_slice %arg3[%dma_start3A_127, %dma_start3A_128] : memref<10000x128xbf16, #tpu.memory_space<hbm>> -> memref<10000x128xbf16, #tpu.memory_space<hbm>>
        tpu.enqueue_indirect_dma source(%dma_start3A_129 : memref<10000x128xbf16, #tpu.memory_space<hbm>>) target(%arg9 : memref<128x128xbf16, #tpu.memory_space<vmem>>) offsets(%dma_start3A_126 : memref<128xi32, #tpu.memory_space<vmem>>) semaphore(%arg12 : memref<!tpu.dma_semaphore, #tpu.memory_space<semaphore_mem>>)
      } else {
      }
    }
    %scan3A_48 = arith.constant 40 : i32
    %mul3A_49 = arith.constant 640 : i32
    %mul3A_50 = arith.muli %arg1, %mul3A_49 : i32
    "tpu.region"() ({
      %run_scoped3A = tpu.sem_alloc : memref<!tpu.dma_semaphore, #tpu.memory_space<semaphore_mem>>
      %dma_start3A_57 = arith.constant 0 : i32
      %dma_start3A_58 = arith.constant 0 : i32
      %dma_start3A_59 = tpu.memref_slice %arg10[%dma_start3A_57, %dma_start3A_58] : memref<128x128xf32, #tpu.memory_space<vmem>> -> memref<8x128xf32, #tpu.memory_space<vmem>>
      %dma_start3A_60 = arith.constant 0 : i32
      %dma_start3A_61 = tpu.memref_slice %arg5[%mul3A_50, %dma_start3A_60] : memref<10240x128xf32, #tpu.memory_space<vmem_shared>> -> memref<8x128xf32, #tpu.memory_space<vmem_shared>>
      %dma_start3A_62 = arith.constant 0 : i32
      %dma_start3A_63 = arith.constant 0 : i32
      %dma_start3A_64 = tpu.memref_slice %arg10[%dma_start3A_62, %dma_start3A_63] : memref<128x128xf32, #tpu.memory_space<vmem>> -> memref<8x128xf32, #tpu.memory_space<vmem>>
      %dma_start3A_65 = arith.constant 0 : i32
      %dma_start3A_66 = tpu.memref_slice %arg5[%mul3A_50, %dma_start3A_65] : memref<10240x128xf32, #tpu.memory_space<vmem_shared>> -> memref<8x128xf32, #tpu.memory_space<vmem_shared>>
      tpu.enqueue_dma source(%dma_start3A_66 : memref<8x128xf32, #tpu.memory_space<vmem_shared>>) target(%dma_start3A_64 : memref<8x128xf32, #tpu.memory_space<vmem>>) target_semaphore(%run_scoped3A : memref<!tpu.dma_semaphore, #tpu.memory_space<semaphore_mem>>)
      %dma_wait3A = arith.constant 0 : i32
      %dma_wait3A_67 = arith.constant 0 : i32
      %dma_wait3A_68 = tpu.memref_slice %arg10[%dma_wait3A, %dma_wait3A_67] : memref<128x128xf32, #tpu.memory_space<vmem>> -> memref<8x128xf32, #tpu.memory_space<vmem>>
      %dma_wait3A_69 = arith.constant 0 : i32
      %dma_wait3A_70 = tpu.memref_slice %arg5[%mul3A_50, %dma_wait3A_69] : memref<10240x128xf32, #tpu.memory_space<vmem_shared>> -> memref<8x128xf32, #tpu.memory_space<vmem_shared>>
      %dma_wait3A_71 = arith.constant 0 : i32
      %dma_wait3A_72 = arith.constant 0 : i32
      %dma_wait3A_73 = tpu.memref_slice %arg10[%dma_wait3A_71, %dma_wait3A_72] : memref<128x128xf32, #tpu.memory_space<vmem>> -> memref<8x128xf32, #tpu.memory_space<vmem>>
      %dma_wait3A_74 = arith.constant 0 : i32
      %dma_wait3A_75 = tpu.memref_slice %arg5[%mul3A_50, %dma_wait3A_74] : memref<10240x128xf32, #tpu.memory_space<vmem_shared>> -> memref<8x128xf32, #tpu.memory_space<vmem_shared>>
      tpu.wait_dma2 semaphore(%run_scoped3A : memref<!tpu.dma_semaphore, #tpu.memory_space<semaphore_mem>>) src(%dma_wait3A_75 : memref<8x128xf32, #tpu.memory_space<vmem_shared>>) dst(%dma_wait3A_73 : memref<8x128xf32, #tpu.memory_space<vmem>>)
      tpu.yield
    }) : () -> ()
    %barrier3A_51 = arith.constant 0 : index
    tpu.barrier barrier_id(%barrier3A_51)
    %barrier3A_52 = arith.constant 0 : index
    tpu.barrier barrier_id(%barrier3A_52)
    %mul3A_53 = arith.constant 640 : i32
    %mul3A_54 = arith.muli %arg1, %mul3A_53 : i32
    %mul3A_55 = arith.constant 640 : i32
    %mul3A_56 = arith.muli %arg1, %mul3A_55 : i32
    "tpu.region"() ({
      %run_scoped3A = tpu.sem_alloc : memref<!tpu.dma_semaphore, #tpu.memory_space<semaphore_mem>>
      %dma_start3A_57 = arith.constant 0 : i32
      %dma_start3A_58 = tpu.memref_slice %arg4[%arg0, %mul3A_56, %dma_start3A_57] : memref<2x10240x128xf32, #tpu.memory_space<hbm>> -> memref<1x640x128xf32, #tpu.memory_space<hbm>>
      %dma_start3A_59 = tpu.memref_squeeze %dma_start3A_58 : memref<1x640x128xf32, #tpu.memory_space<hbm>> -> memref<640x128xf32, #tpu.memory_space<hbm>>
      %dma_start3A_60 = arith.constant 0 : i32
      %dma_start3A_61 = tpu.memref_slice %arg5[%mul3A_54, %dma_start3A_60] : memref<10240x128xf32, #tpu.memory_space<vmem_shared>> -> memref<640x128xf32, #tpu.memory_space<vmem_shared>>
      tpu.enqueue_dma source(%dma_start3A_61 : memref<640x128xf32, #tpu.memory_space<vmem_shared>>) target(%dma_start3A_59 : memref<640x128xf32, #tpu.memory_space<hbm>>) target_semaphore(%run_scoped3A : memref<!tpu.dma_semaphore, #tpu.memory_space<semaphore_mem>>)
      %dma_wait3A = arith.constant 0 : i32
      %dma_wait3A_62 = tpu.memref_slice %arg4[%arg0, %mul3A_56, %dma_wait3A] : memref<2x10240x128xf32, #tpu.memory_space<hbm>> -> memref<1x640x128xf32, #tpu.memory_space<hbm>>
      %dma_wait3A_63 = tpu.memref_squeeze %dma_wait3A_62 : memref<1x640x128xf32, #tpu.memory_space<hbm>> -> memref<640x128xf32, #tpu.memory_space<hbm>>
      %dma_wait3A_64 = arith.constant 0 : i32
      %dma_wait3A_65 = tpu.memref_slice %arg5[%mul3A_54, %dma_wait3A_64] : memref<10240x128xf32, #tpu.memory_space<vmem_shared>> -> memref<640x128xf32, #tpu.memory_space<vmem_shared>>
      tpu.wait_dma2 semaphore(%run_scoped3A : memref<!tpu.dma_semaphore, #tpu.memory_space<semaphore_mem>>) src(%dma_wait3A_65 : memref<640x128xf32, #tpu.memory_space<vmem_shared>>) dst(%dma_wait3A_63 : memref<640x128xf32, #tpu.memory_space<hbm>>)
      tpu.yield
    }) : () -> ()
    return
  }
}

#map = affine_map<(d0, d1) -> (0, 0)>
#map1 = affine_map<(d0, d1) -> (0)>
module attributes {stable_mosaic.version = 14 : i64} {
  func.func @_deg_body(%arg0: i32, %arg1: i32, %arg2: memref<2560x128xi32, #tpu.memory_space<hbm>>, %arg3: memref<20480xf32, #tpu.memory_space<hbm>>, %arg4: memref<10240xf32, #tpu.memory_space<vmem_shared>>, %arg5: memref<80x128xi32, #tpu.memory_space<vmem>>, %arg6: memref<128xf32, #tpu.memory_space<vmem>>, %arg7: memref<128xf32, #tpu.memory_space<vmem>>, %arg8: memref<!tpu.dma_semaphore, #tpu.memory_space<semaphore_mem>>, %arg9: memref<!tpu.dma_semaphore, #tpu.memory_space<semaphore_mem>>, %arg10: memref<!tpu.dma_semaphore, #tpu.memory_space<semaphore_mem>>, %arg11: memref<!tpu.dma_semaphore, #tpu.memory_space<semaphore_mem>>) attributes {dimension_semantics = [#tpu.dimension_semantics<core_parallel>, #tpu.dimension_semantics<subcore_parallel>], iteration_bounds = array<i64: 2, 16>, scalar_prefetch = 0 : i64, scratch_operands = 8 : i64, tpu.core_type = #tpu.core_type<sc_vector_subcore>, window_params = [{transform_indices = #map}, {transform_indices = #map1}]} {
    %mul3A = arith.constant 16 : i32
    %mul3A_0 = arith.muli %arg0, %mul3A : i32
    %add3A = arith.addi %mul3A_0, %arg1 : i32
    %broadcast_in_dim3A = arith.constant 1.000000e+00 : f32
    %broadcast_in_dim3A_1 = vector.broadcast %broadcast_in_dim3A : f32 to vector<16xf32>
    %swap3A = arith.constant 0 : index
    %swap3A_2 = tpu.vector_load %arg6[%swap3A] {strides = array<i32>} : memref<128xf32, #tpu.memory_space<vmem>>, vector<16xf32>,
    %swap3A_3 = vector.shape_cast %swap3A_2 : vector<16xf32> to vector<16xf32>
    %swap3A_4 = vector.shape_cast %broadcast_in_dim3A_1 : vector<16xf32> to vector<16xf32>
    tpu.vector_store %arg6[%swap3A], %swap3A_4 {strides = array<i32>} : memref<128xf32, #tpu.memory_space<vmem>>, vector<16xf32>,
    %broadcast_in_dim3A_5 = arith.constant 0.000000e+00 : f32
    %broadcast_in_dim3A_6 = vector.broadcast %broadcast_in_dim3A_5 : f32 to vector<16xf32>
    %swap3A_7 = arith.constant 0 : index
    %swap3A_8 = tpu.vector_load %arg7[%swap3A_7] {strides = array<i32>} : memref<128xf32, #tpu.memory_space<vmem>>, vector<16xf32>,
    %swap3A_9 = vector.shape_cast %swap3A_8 : vector<16xf32> to vector<16xf32>
    %swap3A_10 = vector.shape_cast %broadcast_in_dim3A_6 : vector<16xf32> to vector<16xf32>
    tpu.vector_store %arg7[%swap3A_7], %swap3A_10 {strides = array<i32>} : memref<128xf32, #tpu.memory_space<vmem>>, vector<16xf32>,
    %broadcast_in_dim3A_11 = arith.constant 1.000000e+00 : f32
    %broadcast_in_dim3A_12 = vector.broadcast %broadcast_in_dim3A_11 : f32 to vector<16xf32>
    %swap3A_13 = arith.constant 16 : index
    %swap3A_14 = tpu.vector_load %arg6[%swap3A_13] {strides = array<i32>} : memref<128xf32, #tpu.memory_space<vmem>>, vector<16xf32>,
    %swap3A_15 = vector.shape_cast %swap3A_14 : vector<16xf32> to vector<16xf32>
    %swap3A_16 = vector.shape_cast %broadcast_in_dim3A_12 : vector<16xf32> to vector<16xf32>
    tpu.vector_store %arg6[%swap3A_13], %swap3A_16 {strides = array<i32>} : memref<128xf32, #tpu.memory_space<vmem>>, vector<16xf32>,
    %broadcast_in_dim3A_17 = arith.constant 0.000000e+00 : f32
    %broadcast_in_dim3A_18 = vector.broadcast %broadcast_in_dim3A_17 : f32 to vector<16xf32>
    %swap3A_19 = arith.constant 16 : index
    %swap3A_20 = tpu.vector_load %arg7[%swap3A_19] {strides = array<i32>} : memref<128xf32, #tpu.memory_space<vmem>>, vector<16xf32>,
    %swap3A_21 = vector.shape_cast %swap3A_20 : vector<16xf32> to vector<16xf32>
    %swap3A_22 = vector.shape_cast %broadcast_in_dim3A_18 : vector<16xf32> to vector<16xf32>
    tpu.vector_store %arg7[%swap3A_19], %swap3A_22 {strides = array<i32>} : memref<128xf32, #tpu.memory_space<vmem>>, vector<16xf32>,
    %broadcast_in_dim3A_23 = arith.constant 1.000000e+00 : f32
    %broadcast_in_dim3A_24 = vector.broadcast %broadcast_in_dim3A_23 : f32 to vector<16xf32>
    %swap3A_25 = arith.constant 32 : index
    %swap3A_26 = tpu.vector_load %arg6[%swap3A_25] {strides = array<i32>} : memref<128xf32, #tpu.memory_space<vmem>>, vector<16xf32>,
    %swap3A_27 = vector.shape_cast %swap3A_26 : vector<16xf32> to vector<16xf32>
    %swap3A_28 = vector.shape_cast %broadcast_in_dim3A_24 : vector<16xf32> to vector<16xf32>
    tpu.vector_store %arg6[%swap3A_25], %swap3A_28 {strides = array<i32>} : memref<128xf32, #tpu.memory_space<vmem>>, vector<16xf32>,
    %broadcast_in_dim3A_29 = arith.constant 0.000000e+00 : f32
    %broadcast_in_dim3A_30 = vector.broadcast %broadcast_in_dim3A_29 : f32 to vector<16xf32>
    %swap3A_31 = arith.constant 32 : index
    %swap3A_32 = tpu.vector_load %arg7[%swap3A_31] {strides = array<i32>} : memref<128xf32, #tpu.memory_space<vmem>>, vector<16xf32>,
    %swap3A_33 = vector.shape_cast %swap3A_32 : vector<16xf32> to vector<16xf32>
    %swap3A_34 = vector.shape_cast %broadcast_in_dim3A_30 : vector<16xf32> to vector<16xf32>
    tpu.vector_store %arg7[%swap3A_31], %swap3A_34 {strides = array<i32>} : memref<128xf32, #tpu.memory_space<vmem>>, vector<16xf32>,
    %broadcast_in_dim3A_35 = arith.constant 1.000000e+00 : f32
    %broadcast_in_dim3A_36 = vector.broadcast %broadcast_in_dim3A_35 : f32 to vector<16xf32>
    %swap3A_37 = arith.constant 48 : index
    %swap3A_38 = tpu.vector_load %arg6[%swap3A_37] {strides = array<i32>} : memref<128xf32, #tpu.memory_space<vmem>>, vector<16xf32>,
    %swap3A_39 = vector.shape_cast %swap3A_38 : vector<16xf32> to vector<16xf32>
    %swap3A_40 = vector.shape_cast %broadcast_in_dim3A_36 : vector<16xf32> to vector<16xf32>
    tpu.vector_store %arg6[%swap3A_37], %swap3A_40 {strides = array<i32>} : memref<128xf32, #tpu.memory_space<vmem>>, vector<16xf32>,
    %broadcast_in_dim3A_41 = arith.constant 0.000000e+00 : f32
    %broadcast_in_dim3A_42 = vector.broadcast %broadcast_in_dim3A_41 : f32 to vector<16xf32>
    %swap3A_43 = arith.constant 48 : index
    %swap3A_44 = tpu.vector_load %arg7[%swap3A_43] {strides = array<i32>} : memref<128xf32, #tpu.memory_space<vmem>>, vector<16xf32>,
    %swap3A_45 = vector.shape_cast %swap3A_44 : vector<16xf32> to vector<16xf32>
    %swap3A_46 = vector.shape_cast %broadcast_in_dim3A_42 : vector<16xf32> to vector<16xf32>
    tpu.vector_store %arg7[%swap3A_43], %swap3A_46 {strides = array<i32>} : memref<128xf32, #tpu.memory_space<vmem>>, vector<16xf32>,
    %broadcast_in_dim3A_47 = arith.constant 1.000000e+00 : f32
    %broadcast_in_dim3A_48 = vector.broadcast %broadcast_in_dim3A_47 : f32 to vector<16xf32>
    %swap3A_49 = arith.constant 64 : index
    %swap3A_50 = tpu.vector_load %arg6[%swap3A_49] {strides = array<i32>} : memref<128xf32, #tpu.memory_space<vmem>>, vector<16xf32>,
    %swap3A_51 = vector.shape_cast %swap3A_50 : vector<16xf32> to vector<16xf32>
    %swap3A_52 = vector.shape_cast %broadcast_in_dim3A_48 : vector<16xf32> to vector<16xf32>
    tpu.vector_store %arg6[%swap3A_49], %swap3A_52 {strides = array<i32>} : memref<128xf32, #tpu.memory_space<vmem>>, vector<16xf32>,
    %broadcast_in_dim3A_53 = arith.constant 0.000000e+00 : f32
    %broadcast_in_dim3A_54 = vector.broadcast %broadcast_in_dim3A_53 : f32 to vector<16xf32>
    %swap3A_55 = arith.constant 64 : index
    %swap3A_56 = tpu.vector_load %arg7[%swap3A_55] {strides = array<i32>} : memref<128xf32, #tpu.memory_space<vmem>>, vector<16xf32>,
    %swap3A_57 = vector.shape_cast %swap3A_56 : vector<16xf32> to vector<16xf32>
    %swap3A_58 = vector.shape_cast %broadcast_in_dim3A_54 : vector<16xf32> to vector<16xf32>
    tpu.vector_store %arg7[%swap3A_55], %swap3A_58 {strides = array<i32>} : memref<128xf32, #tpu.memory_space<vmem>>, vector<16xf32>,
    %broadcast_in_dim3A_59 = arith.constant 1.000000e+00 : f32
    %broadcast_in_dim3A_60 = vector.broadcast %broadcast_in_dim3A_59 : f32 to vector<16xf32>
    %swap3A_61 = arith.constant 80 : index
    %swap3A_62 = tpu.vector_load %arg6[%swap3A_61] {strides = array<i32>} : memref<128xf32, #tpu.memory_space<vmem>>, vector<16xf32>,
    %swap3A_63 = vector.shape_cast %swap3A_62 : vector<16xf32> to vector<16xf32>
    %swap3A_64 = vector.shape_cast %broadcast_in_dim3A_60 : vector<16xf32> to vector<16xf32>
    tpu.vector_store %arg6[%swap3A_61], %swap3A_64 {strides = array<i32>} : memref<128xf32, #tpu.memory_space<vmem>>, vector<16xf32>,
    %broadcast_in_dim3A_65 = arith.constant 0.000000e+00 : f32
    %broadcast_in_dim3A_66 = vector.broadcast %broadcast_in_dim3A_65 : f32 to vector<16xf32>
    %swap3A_67 = arith.constant 80 : index
    %swap3A_68 = tpu.vector_load %arg7[%swap3A_67] {strides = array<i32>} : memref<128xf32, #tpu.memory_space<vmem>>, vector<16xf32>,
    %swap3A_69 = vector.shape_cast %swap3A_68 : vector<16xf32> to vector<16xf32>
    %swap3A_70 = vector.shape_cast %broadcast_in_dim3A_66 : vector<16xf32> to vector<16xf32>
    tpu.vector_store %arg7[%swap3A_67], %swap3A_70 {strides = array<i32>} : memref<128xf32, #tpu.memory_space<vmem>>, vector<16xf32>,
    %broadcast_in_dim3A_71 = arith.constant 1.000000e+00 : f32
    %broadcast_in_dim3A_72 = vector.broadcast %broadcast_in_dim3A_71 : f32 to vector<16xf32>
    %swap3A_73 = arith.constant 96 : index
    %swap3A_74 = tpu.vector_load %arg6[%swap3A_73] {strides = array<i32>} : memref<128xf32, #tpu.memory_space<vmem>>, vector<16xf32>,
    %swap3A_75 = vector.shape_cast %swap3A_74 : vector<16xf32> to vector<16xf32>
    %swap3A_76 = vector.shape_cast %broadcast_in_dim3A_72 : vector<16xf32> to vector<16xf32>
    tpu.vector_store %arg6[%swap3A_73], %swap3A_76 {strides = array<i32>} : memref<128xf32, #tpu.memory_space<vmem>>, vector<16xf32>,
    %broadcast_in_dim3A_77 = arith.constant 0.000000e+00 : f32
    %broadcast_in_dim3A_78 = vector.broadcast %broadcast_in_dim3A_77 : f32 to vector<16xf32>
    %swap3A_79 = arith.constant 96 : index
    %swap3A_80 = tpu.vector_load %arg7[%swap3A_79] {strides = array<i32>} : memref<128xf32, #tpu.memory_space<vmem>>, vector<16xf32>,
    %swap3A_81 = vector.shape_cast %swap3A_80 : vector<16xf32> to vector<16xf32>
    %swap3A_82 = vector.shape_cast %broadcast_in_dim3A_78 : vector<16xf32> to vector<16xf32>
    tpu.vector_store %arg7[%swap3A_79], %swap3A_82 {strides = array<i32>} : memref<128xf32, #tpu.memory_space<vmem>>, vector<16xf32>,
    %broadcast_in_dim3A_83 = arith.constant 1.000000e+00 : f32
    %broadcast_in_dim3A_84 = vector.broadcast %broadcast_in_dim3A_83 : f32 to vector<16xf32>
    %swap3A_85 = arith.constant 112 : index
    %swap3A_86 = tpu.vector_load %arg6[%swap3A_85] {strides = array<i32>} : memref<128xf32, #tpu.memory_space<vmem>>, vector<16xf32>,
    %swap3A_87 = vector.shape_cast %swap3A_86 : vector<16xf32> to vector<16xf32>
    %swap3A_88 = vector.shape_cast %broadcast_in_dim3A_84 : vector<16xf32> to vector<16xf32>
    tpu.vector_store %arg6[%swap3A_85], %swap3A_88 {strides = array<i32>} : memref<128xf32, #tpu.memory_space<vmem>>, vector<16xf32>,
    %broadcast_in_dim3A_89 = arith.constant 0.000000e+00 : f32
    %broadcast_in_dim3A_90 = vector.broadcast %broadcast_in_dim3A_89 : f32 to vector<16xf32>
    %swap3A_91 = arith.constant 112 : index
    %swap3A_92 = tpu.vector_load %arg7[%swap3A_91] {strides = array<i32>} : memref<128xf32, #tpu.memory_space<vmem>>, vector<16xf32>,
    %swap3A_93 = vector.shape_cast %swap3A_92 : vector<16xf32> to vector<16xf32>
    %swap3A_94 = vector.shape_cast %broadcast_in_dim3A_90 : vector<16xf32> to vector<16xf32>
    tpu.vector_store %arg7[%swap3A_91], %swap3A_94 {strides = array<i32>} : memref<128xf32, #tpu.memory_space<vmem>>, vector<16xf32>,
    %mul3A_95 = arith.constant 640 : i32
    %mul3A_96 = arith.muli %arg1, %mul3A_95 : i32
    %add3A_97 = arith.constant 0 : i32
    %add3A_98 = arith.addi %mul3A_96, %add3A_97 : i32
    "tpu.region"() ({
      %run_scoped3A = tpu.sem_alloc : memref<!tpu.dma_semaphore, #tpu.memory_space<semaphore_mem>>
      %dma_start3A_156 = tpu.memref_slice %arg4[%add3A_98] : memref<10240xf32, #tpu.memory_space<vmem_shared>> -> memref<128xf32, #tpu.memory_space<vmem_shared>>
      %dma_start3A_157 = tpu.memref_slice %arg4[%add3A_98] : memref<10240xf32, #tpu.memory_space<vmem_shared>> -> memref<128xf32, #tpu.memory_space<vmem_shared>>
      tpu.enqueue_dma source(%arg7 : memref<128xf32, #tpu.memory_space<vmem>>) target(%dma_start3A_157 : memref<128xf32, #tpu.memory_space<vmem_shared>>) target_semaphore(%run_scoped3A : memref<!tpu.dma_semaphore, #tpu.memory_space<semaphore_mem>>)
      %dma_wait3A = tpu.memref_slice %arg4[%add3A_98] : memref<10240xf32, #tpu.memory_space<vmem_shared>> -> memref<128xf32, #tpu.memory_space<vmem_shared>>
      %dma_wait3A_158 = tpu.memref_slice %arg4[%add3A_98] : memref<10240xf32, #tpu.memory_space<vmem_shared>> -> memref<128xf32, #tpu.memory_space<vmem_shared>>
      tpu.wait_dma2 semaphore(%run_scoped3A : memref<!tpu.dma_semaphore, #tpu.memory_space<semaphore_mem>>) src(%arg7 : memref<128xf32, #tpu.memory_space<vmem>>) dst(%dma_wait3A_158 : memref<128xf32, #tpu.memory_space<vmem_shared>>)
      tpu.yield
    }) : () -> ()
    %mul3A_99 = arith.constant 640 : i32
    %mul3A_100 = arith.muli %arg1, %mul3A_99 : i32
    %add3A_101 = arith.constant 128 : i32
    %add3A_102 = arith.addi %mul3A_100, %add3A_101 : i32
    "tpu.region"() ({
      %run_scoped3A = tpu.sem_alloc : memref<!tpu.dma_semaphore, #tpu.memory_space<semaphore_mem>>
      %dma_start3A_156 = tpu.memref_slice %arg4[%add3A_102] : memref<10240xf32, #tpu.memory_space<vmem_shared>> -> memref<128xf32, #tpu.memory_space<vmem_shared>>
      %dma_start3A_157 = tpu.memref_slice %arg4[%add3A_102] : memref<10240xf32, #tpu.memory_space<vmem_shared>> -> memref<128xf32, #tpu.memory_space<vmem_shared>>
      tpu.enqueue_dma source(%arg7 : memref<128xf32, #tpu.memory_space<vmem>>) target(%dma_start3A_157 : memref<128xf32, #tpu.memory_space<vmem_shared>>) target_semaphore(%run_scoped3A : memref<!tpu.dma_semaphore, #tpu.memory_space<semaphore_mem>>)
      %dma_wait3A = tpu.memref_slice %arg4[%add3A_102] : memref<10240xf32, #tpu.memory_space<vmem_shared>> -> memref<128xf32, #tpu.memory_space<vmem_shared>>
      %dma_wait3A_158 = tpu.memref_slice %arg4[%add3A_102] : memref<10240xf32, #tpu.memory_space<vmem_shared>> -> memref<128xf32, #tpu.memory_space<vmem_shared>>
      tpu.wait_dma2 semaphore(%run_scoped3A : memref<!tpu.dma_semaphore, #tpu.memory_space<semaphore_mem>>) src(%arg7 : memref<128xf32, #tpu.memory_space<vmem>>) dst(%dma_wait3A_158 : memref<128xf32, #tpu.memory_space<vmem_shared>>)
      tpu.yield
    }) : () -> ()
    %mul3A_103 = arith.constant 640 : i32
    %mul3A_104 = arith.muli %arg1, %mul3A_103 : i32
    %add3A_105 = arith.constant 256 : i32
    %add3A_106 = arith.addi %mul3A_104, %add3A_105 : i32
    "tpu.region"() ({
      %run_scoped3A = tpu.sem_alloc : memref<!tpu.dma_semaphore, #tpu.memory_space<semaphore_mem>>
      %dma_start3A_156 = tpu.memref_slice %arg4[%add3A_106] : memref<10240xf32, #tpu.memory_space<vmem_shared>> -> memref<128xf32, #tpu.memory_space<vmem_shared>>
      %dma_start3A_157 = tpu.memref_slice %arg4[%add3A_106] : memref<10240xf32, #tpu.memory_space<vmem_shared>> -> memref<128xf32, #tpu.memory_space<vmem_shared>>
      tpu.enqueue_dma source(%arg7 : memref<128xf32, #tpu.memory_space<vmem>>) target(%dma_start3A_157 : memref<128xf32, #tpu.memory_space<vmem_shared>>) target_semaphore(%run_scoped3A : memref<!tpu.dma_semaphore, #tpu.memory_space<semaphore_mem>>)
      %dma_wait3A = tpu.memref_slice %arg4[%add3A_106] : memref<10240xf32, #tpu.memory_space<vmem_shared>> -> memref<128xf32, #tpu.memory_space<vmem_shared>>
      %dma_wait3A_158 = tpu.memref_slice %arg4[%add3A_106] : memref<10240xf32, #tpu.memory_space<vmem_shared>> -> memref<128xf32, #tpu.memory_space<vmem_shared>>
      tpu.wait_dma2 semaphore(%run_scoped3A : memref<!tpu.dma_semaphore, #tpu.memory_space<semaphore_mem>>) src(%arg7 : memref<128xf32, #tpu.memory_space<vmem>>) dst(%dma_wait3A_158 : memref<128xf32, #tpu.memory_space<vmem_shared>>)
      tpu.yield
    }) : () -> ()
    %mul3A_107 = arith.constant 640 : i32
    %mul3A_108 = arith.muli %arg1, %mul3A_107 : i32
    %add3A_109 = arith.constant 384 : i32
    %add3A_110 = arith.addi %mul3A_108, %add3A_109 : i32
    "tpu.region"() ({
      %run_scoped3A = tpu.sem_alloc : memref<!tpu.dma_semaphore, #tpu.memory_space<semaphore_mem>>
      %dma_start3A_156 = tpu.memref_slice %arg4[%add3A_110] : memref<10240xf32, #tpu.memory_space<vmem_shared>> -> memref<128xf32, #tpu.memory_space<vmem_shared>>
      %dma_start3A_157 = tpu.memref_slice %arg4[%add3A_110] : memref<10240xf32, #tpu.memory_space<vmem_shared>> -> memref<128xf32, #tpu.memory_space<vmem_shared>>
      tpu.enqueue_dma source(%arg7 : memref<128xf32, #tpu.memory_space<vmem>>) target(%dma_start3A_157 : memref<128xf32, #tpu.memory_space<vmem_shared>>) target_semaphore(%run_scoped3A : memref<!tpu.dma_semaphore, #tpu.memory_space<semaphore_mem>>)
      %dma_wait3A = tpu.memref_slice %arg4[%add3A_110] : memref<10240xf32, #tpu.memory_space<vmem_shared>> -> memref<128xf32, #tpu.memory_space<vmem_shared>>
      %dma_wait3A_158 = tpu.memref_slice %arg4[%add3A_110] : memref<10240xf32, #tpu.memory_space<vmem_shared>> -> memref<128xf32, #tpu.memory_space<vmem_shared>>
      tpu.wait_dma2 semaphore(%run_scoped3A : memref<!tpu.dma_semaphore, #tpu.memory_space<semaphore_mem>>) src(%arg7 : memref<128xf32, #tpu.memory_space<vmem>>) dst(%dma_wait3A_158 : memref<128xf32, #tpu.memory_space<vmem_shared>>)
      tpu.yield
    }) : () -> ()
    %mul3A_111 = arith.constant 640 : i32
    %mul3A_112 = arith.muli %arg1, %mul3A_111 : i32
    %add3A_113 = arith.constant 512 : i32
    %add3A_114 = arith.addi %mul3A_112, %add3A_113 : i32
    "tpu.region"() ({
      %run_scoped3A = tpu.sem_alloc : memref<!tpu.dma_semaphore, #tpu.memory_space<semaphore_mem>>
      %dma_start3A_156 = tpu.memref_slice %arg4[%add3A_114] : memref<10240xf32, #tpu.memory_space<vmem_shared>> -> memref<128xf32, #tpu.memory_space<vmem_shared>>
      %dma_start3A_157 = tpu.memref_slice %arg4[%add3A_114] : memref<10240xf32, #tpu.memory_space<vmem_shared>> -> memref<128xf32, #tpu.memory_space<vmem_shared>>
      tpu.enqueue_dma source(%arg7 : memref<128xf32, #tpu.memory_space<vmem>>) target(%dma_start3A_157 : memref<128xf32, #tpu.memory_space<vmem_shared>>) target_semaphore(%run_scoped3A : memref<!tpu.dma_semaphore, #tpu.memory_space<semaphore_mem>>)
      %dma_wait3A = tpu.memref_slice %arg4[%add3A_114] : memref<10240xf32, #tpu.memory_space<vmem_shared>> -> memref<128xf32, #tpu.memory_space<vmem_shared>>
      %dma_wait3A_158 = tpu.memref_slice %arg4[%add3A_114] : memref<10240xf32, #tpu.memory_space<vmem_shared>> -> memref<128xf32, #tpu.memory_space<vmem_shared>>
      tpu.wait_dma2 semaphore(%run_scoped3A : memref<!tpu.dma_semaphore, #tpu.memory_space<semaphore_mem>>) src(%arg7 : memref<128xf32, #tpu.memory_space<vmem>>) dst(%dma_wait3A_158 : memref<128xf32, #tpu.memory_space<vmem_shared>>)
      tpu.yield
    }) : () -> ()
    %barrier3A = arith.constant 0 : index
    tpu.barrier barrier_id(%barrier3A)
    %mul3A_115 = arith.constant 80 : i32
    %mul3A_116 = arith.muli %add3A, %mul3A_115 : i32
    "tpu.region"() ({
      %run_scoped3A = tpu.sem_alloc : memref<!tpu.dma_semaphore, #tpu.memory_space<semaphore_mem>>
      %dma_start3A_156 = arith.constant 0 : i32
      %dma_start3A_157 = tpu.memref_slice %arg2[%mul3A_116, %dma_start3A_156] : memref<2560x128xi32, #tpu.memory_space<hbm>> -> memref<80x128xi32, #tpu.memory_space<hbm>>
      %dma_start3A_158 = arith.constant 0 : i32
      %dma_start3A_159 = tpu.memref_slice %arg2[%mul3A_116, %dma_start3A_158] : memref<2560x128xi32, #tpu.memory_space<hbm>> -> memref<80x128xi32, #tpu.memory_space<hbm>>
      tpu.enqueue_dma source(%dma_start3A_159 : memref<80x128xi32, #tpu.memory_space<hbm>>) target(%arg5 : memref<80x128xi32, #tpu.memory_space<vmem>>) target_semaphore(%run_scoped3A : memref<!tpu.dma_semaphore, #tpu.memory_space<semaphore_mem>>)
      %dma_wait3A = arith.constant 0 : i32
      %dma_wait3A_160 = tpu.memref_slice %arg2[%mul3A_116, %dma_wait3A] : memref<2560x128xi32, #tpu.memory_space<hbm>> -> memref<80x128xi32, #tpu.memory_space<hbm>>
      %dma_wait3A_161 = arith.constant 0 : i32
      %dma_wait3A_162 = tpu.memref_slice %arg2[%mul3A_116, %dma_wait3A_161] : memref<2560x128xi32, #tpu.memory_space<hbm>> -> memref<80x128xi32, #tpu.memory_space<hbm>>
      tpu.wait_dma2 semaphore(%run_scoped3A : memref<!tpu.dma_semaphore, #tpu.memory_space<semaphore_mem>>) src(%dma_wait3A_162 : memref<80x128xi32, #tpu.memory_space<hbm>>) dst(%arg5 : memref<80x128xi32, #tpu.memory_space<vmem>>)
      tpu.yield
    }) : () -> ()
    %dma_start3A = arith.constant 0 : i32
    %dma_start3A_117 = arith.constant 0 : i32
    %dma_start3A_118 = tpu.memref_slice %arg5[%dma_start3A, %dma_start3A_117] : memref<80x128xi32, #tpu.memory_space<vmem>> -> memref<1x128xi32, #tpu.memory_space<vmem>>
    %dma_start3A_119 = tpu.memref_squeeze %dma_start3A_118 : memref<1x128xi32, #tpu.memory_space<vmem>> -> memref<128xi32, #tpu.memory_space<vmem>>
    %dma_start3A_120 = arith.constant 0 : i32
    %dma_start3A_121 = tpu.memref_slice %arg4[%dma_start3A_120] : memref<10240xf32, #tpu.memory_space<vmem_shared>> -> memref<10240xf32, #tpu.memory_space<vmem_shared>>
    tpu.enqueue_indirect_dma source(%arg6 : memref<128xf32, #tpu.memory_space<vmem>>) target(%dma_start3A_121 : memref<10240xf32, #tpu.memory_space<vmem_shared>>) offsets(%dma_start3A_119 : memref<128xi32, #tpu.memory_space<vmem>>) semaphore(%arg8 : memref<!tpu.dma_semaphore, #tpu.memory_space<semaphore_mem>>) {add = true}
    %dma_start3A_122 = arith.constant 1 : i32
    %dma_start3A_123 = arith.constant 0 : i32
    %dma_start3A_124 = tpu.memref_slice %arg5[%dma_start3A_122, %dma_start3A_123] : memref<80x128xi32, #tpu.memory_space<vmem>> -> memref<1x128xi32, #tpu.memory_space<vmem>>
    %dma_start3A_125 = tpu.memref_squeeze %dma_start3A_124 : memref<1x128xi32, #tpu.memory_space<vmem>> -> memref<128xi32, #tpu.memory_space<vmem>>
    %dma_start3A_126 = arith.constant 0 : i32
    %dma_start3A_127 = tpu.memref_slice %arg4[%dma_start3A_126] : memref<10240xf32, #tpu.memory_space<vmem_shared>> -> memref<10240xf32, #tpu.memory_space<vmem_shared>>
    tpu.enqueue_indirect_dma source(%arg6 : memref<128xf32, #tpu.memory_space<vmem>>) target(%dma_start3A_127 : memref<10240xf32, #tpu.memory_space<vmem_shared>>) offsets(%dma_start3A_125 : memref<128xi32, #tpu.memory_space<vmem>>) semaphore(%arg9 : memref<!tpu.dma_semaphore, #tpu.memory_space<semaphore_mem>>) {add = true}
    %dma_start3A_128 = arith.constant 2 : i32
    %dma_start3A_129 = arith.constant 0 : i32
    %dma_start3A_130 = tpu.memref_slice %arg5[%dma_start3A_128, %dma_start3A_129] : memref<80x128xi32, #tpu.memory_space<vmem>> -> memref<1x128xi32, #tpu.memory_space<vmem>>
    %dma_start3A_131 = tpu.memref_squeeze %dma_start3A_130 : memref<1x128xi32, #tpu.memory_space<vmem>> -> memref<128xi32, #tpu.memory_space<vmem>>
    %dma_start3A_132 = arith.constant 0 : i32
    %dma_start3A_133 = tpu.memref_slice %arg4[%dma_start3A_132] : memref<10240xf32, #tpu.memory_space<vmem_shared>> -> memref<10240xf32, #tpu.memory_space<vmem_shared>>
    tpu.enqueue_indirect_dma source(%arg6 : memref<128xf32, #tpu.memory_space<vmem>>) target(%dma_start3A_133 : memref<10240xf32, #tpu.memory_space<vmem_shared>>) offsets(%dma_start3A_131 : memref<128xi32, #tpu.memory_space<vmem>>) semaphore(%arg10 : memref<!tpu.dma_semaphore, #tpu.memory_space<semaphore_mem>>) {add = true}
    %dma_start3A_134 = arith.constant 3 : i32
    %dma_start3A_135 = arith.constant 0 : i32
    %dma_start3A_136 = tpu.memref_slice %arg5[%dma_start3A_134, %dma_start3A_135] : memref<80x128xi32, #tpu.memory_space<vmem>> -> memref<1x128xi32, #tpu.memory_space<vmem>>
    %dma_start3A_137 = tpu.memref_squeeze %dma_start3A_136 : memref<1x128xi32, #tpu.memory_space<vmem>> -> memref<128xi32, #tpu.memory_space<vmem>>
    %dma_start3A_138 = arith.constant 0 : i32
    %dma_start3A_139 = tpu.memref_slice %arg4[%dma_start3A_138] : memref<10240xf32, #tpu.memory_space<vmem_shared>> -> memref<10240xf32, #tpu.memory_space<vmem_shared>>
    tpu.enqueue_indirect_dma source(%arg6 : memref<128xf32, #tpu.memory_space<vmem>>) target(%dma_start3A_139 : memref<10240xf32, #tpu.memory_space<vmem_shared>>) offsets(%dma_start3A_137 : memref<128xi32, #tpu.memory_space<vmem>>) semaphore(%arg11 : memref<!tpu.dma_semaphore, #tpu.memory_space<semaphore_mem>>) {add = true}
    %scan3A = arith.constant 0 : i32
    %scan3A_140 = arith.constant 0 : i32
    %scan3A_141 = arith.constant 20 : i32
    %scan3A_142 = arith.addi %scan3A_140, %scan3A_141 : i32
    %scan3A_143 = arith.constant 1 : i32
    scf.for %scan3A_156 = %scan3A_140 to %scan3A_142 step %scan3A_143  : i32 {
      %mul3A_157 = arith.constant 4 : i32
      %mul3A_158 = arith.muli %mul3A_157, %scan3A_156 : i32
      %add3A_159 = arith.constant 0 : i32
      %add3A_160 = arith.addi %mul3A_158, %add3A_159 : i32
      %dma_wait3A = arith.constant 0 : i32
      %dma_wait3A_161 = tpu.memref_slice %arg5[%add3A_160, %dma_wait3A] : memref<80x128xi32, #tpu.memory_space<vmem>> -> memref<1x128xi32, #tpu.memory_space<vmem>>
      %dma_wait3A_162 = tpu.memref_squeeze %dma_wait3A_161 : memref<1x128xi32, #tpu.memory_space<vmem>> -> memref<128xi32, #tpu.memory_space<vmem>>
      %dma_wait3A_163 = arith.constant 0 : i32
      %dma_wait3A_164 = tpu.memref_slice %arg4[%dma_wait3A_163] : memref<10240xf32, #tpu.memory_space<vmem_shared>> -> memref<10240xf32, #tpu.memory_space<vmem_shared>>
      tpu.wait_indirect_dma semaphore(%arg8 : memref<!tpu.dma_semaphore, #tpu.memory_space<semaphore_mem>>) src(%arg6 : memref<128xf32, #tpu.memory_space<vmem>>) dst(%dma_wait3A_164 : memref<10240xf32, #tpu.memory_space<vmem_shared>>)
      %lt3A = arith.constant 19 : i32
      %lt3A_165 = arith.cmpi slt, %scan3A_156, %lt3A : i32
      %convert_element_type3A = arith.extui %lt3A_165 : i1 to i32
      %cond3A = arith.constant 0 : i32
      %cond3A_166 = arith.cmpi ne, %convert_element_type3A, %cond3A : i32
      scf.if %cond3A_166 {
        %add3A_209 = arith.constant 4 : i32
        %add3A_210 = arith.addi %add3A_160, %add3A_209 : i32
        %dma_start3A_211 = arith.constant 0 : i32
        %dma_start3A_212 = tpu.memref_slice %arg5[%add3A_210, %dma_start3A_211] : memref<80x128xi32, #tpu.memory_space<vmem>> -> memref<1x128xi32, #tpu.memory_space<vmem>>
        %dma_start3A_213 = tpu.memref_squeeze %dma_start3A_212 : memref<1x128xi32, #tpu.memory_space<vmem>> -> memref<128xi32, #tpu.memory_space<vmem>>
        %dma_start3A_214 = arith.constant 0 : i32
        %dma_start3A_215 = tpu.memref_slice %arg4[%dma_start3A_214] : memref<10240xf32, #tpu.memory_space<vmem_shared>> -> memref<10240xf32, #tpu.memory_space<vmem_shared>>
        tpu.enqueue_indirect_dma source(%arg6 : memref<128xf32, #tpu.memory_space<vmem>>) target(%dma_start3A_215 : memref<10240xf32, #tpu.memory_space<vmem_shared>>) offsets(%dma_start3A_213 : memref<128xi32, #tpu.memory_space<vmem>>) semaphore(%arg8 : memref<!tpu.dma_semaphore, #tpu.memory_space<semaphore_mem>>) {add = true}
      } else {
      }
      %mul3A_167 = arith.constant 4 : i32
      %mul3A_168 = arith.muli %mul3A_167, %scan3A_156 : i32
      %add3A_169 = arith.constant 1 : i32
      %add3A_170 = arith.addi %mul3A_168, %add3A_169 : i32
      %dma_wait3A_171 = arith.constant 0 : i32
      %dma_wait3A_172 = tpu.memref_slice %arg5[%add3A_170, %dma_wait3A_171] : memref<80x128xi32, #tpu.memory_space<vmem>> -> memref<1x128xi32, #tpu.memory_space<vmem>>
      %dma_wait3A_173 = tpu.memref_squeeze %dma_wait3A_172 : memref<1x128xi32, #tpu.memory_space<vmem>> -> memref<128xi32, #tpu.memory_space<vmem>>
      %dma_wait3A_174 = arith.constant 0 : i32
      %dma_wait3A_175 = tpu.memref_slice %arg4[%dma_wait3A_174] : memref<10240xf32, #tpu.memory_space<vmem_shared>> -> memref<10240xf32, #tpu.memory_space<vmem_shared>>
      tpu.wait_indirect_dma semaphore(%arg9 : memref<!tpu.dma_semaphore, #tpu.memory_space<semaphore_mem>>) src(%arg6 : memref<128xf32, #tpu.memory_space<vmem>>) dst(%dma_wait3A_175 : memref<10240xf32, #tpu.memory_space<vmem_shared>>)
      %lt3A_176 = arith.constant 19 : i32
      %lt3A_177 = arith.cmpi slt, %scan3A_156, %lt3A_176 : i32
      %convert_element_type3A_178 = arith.extui %lt3A_177 : i1 to i32
      %cond3A_179 = arith.constant 0 : i32
      %cond3A_180 = arith.cmpi ne, %convert_element_type3A_178, %cond3A_179 : i32
      scf.if %cond3A_180 {
        %add3A_209 = arith.constant 4 : i32
        %add3A_210 = arith.addi %add3A_170, %add3A_209 : i32
        %dma_start3A_211 = arith.constant 0 : i32
        %dma_start3A_212 = tpu.memref_slice %arg5[%add3A_210, %dma_start3A_211] : memref<80x128xi32, #tpu.memory_space<vmem>> -> memref<1x128xi32, #tpu.memory_space<vmem>>
        %dma_start3A_213 = tpu.memref_squeeze %dma_start3A_212 : memref<1x128xi32, #tpu.memory_space<vmem>> -> memref<128xi32, #tpu.memory_space<vmem>>
        %dma_start3A_214 = arith.constant 0 : i32
        %dma_start3A_215 = tpu.memref_slice %arg4[%dma_start3A_214] : memref<10240xf32, #tpu.memory_space<vmem_shared>> -> memref<10240xf32, #tpu.memory_space<vmem_shared>>
        tpu.enqueue_indirect_dma source(%arg6 : memref<128xf32, #tpu.memory_space<vmem>>) target(%dma_start3A_215 : memref<10240xf32, #tpu.memory_space<vmem_shared>>) offsets(%dma_start3A_213 : memref<128xi32, #tpu.memory_space<vmem>>) semaphore(%arg9 : memref<!tpu.dma_semaphore, #tpu.memory_space<semaphore_mem>>) {add = true}
      } else {
      }
      %mul3A_181 = arith.constant 4 : i32
      %mul3A_182 = arith.muli %mul3A_181, %scan3A_156 : i32
      %add3A_183 = arith.constant 2 : i32
      %add3A_184 = arith.addi %mul3A_182, %add3A_183 : i32
      %dma_wait3A_185 = arith.constant 0 : i32
      %dma_wait3A_186 = tpu.memref_slice %arg5[%add3A_184, %dma_wait3A_185] : memref<80x128xi32, #tpu.memory_space<vmem>> -> memref<1x128xi32, #tpu.memory_space<vmem>>
      %dma_wait3A_187 = tpu.memref_squeeze %dma_wait3A_186 : memref<1x128xi32, #tpu.memory_space<vmem>> -> memref<128xi32, #tpu.memory_space<vmem>>
      %dma_wait3A_188 = arith.constant 0 : i32
      %dma_wait3A_189 = tpu.memref_slice %arg4[%dma_wait3A_188] : memref<10240xf32, #tpu.memory_space<vmem_shared>> -> memref<10240xf32, #tpu.memory_space<vmem_shared>>
      tpu.wait_indirect_dma semaphore(%arg10 : memref<!tpu.dma_semaphore, #tpu.memory_space<semaphore_mem>>) src(%arg6 : memref<128xf32, #tpu.memory_space<vmem>>) dst(%dma_wait3A_189 : memref<10240xf32, #tpu.memory_space<vmem_shared>>)
      %lt3A_190 = arith.constant 19 : i32
      %lt3A_191 = arith.cmpi slt, %scan3A_156, %lt3A_190 : i32
      %convert_element_type3A_192 = arith.extui %lt3A_191 : i1 to i32
      %cond3A_193 = arith.constant 0 : i32
      %cond3A_194 = arith.cmpi ne, %convert_element_type3A_192, %cond3A_193 : i32
      scf.if %cond3A_194 {
        %add3A_209 = arith.constant 4 : i32
        %add3A_210 = arith.addi %add3A_184, %add3A_209 : i32
        %dma_start3A_211 = arith.constant 0 : i32
        %dma_start3A_212 = tpu.memref_slice %arg5[%add3A_210, %dma_start3A_211] : memref<80x128xi32, #tpu.memory_space<vmem>> -> memref<1x128xi32, #tpu.memory_space<vmem>>
        %dma_start3A_213 = tpu.memref_squeeze %dma_start3A_212 : memref<1x128xi32, #tpu.memory_space<vmem>> -> memref<128xi32, #tpu.memory_space<vmem>>
        %dma_start3A_214 = arith.constant 0 : i32
        %dma_start3A_215 = tpu.memref_slice %arg4[%dma_start3A_214] : memref<10240xf32, #tpu.memory_space<vmem_shared>> -> memref<10240xf32, #tpu.memory_space<vmem_shared>>
        tpu.enqueue_indirect_dma source(%arg6 : memref<128xf32, #tpu.memory_space<vmem>>) target(%dma_start3A_215 : memref<10240xf32, #tpu.memory_space<vmem_shared>>) offsets(%dma_start3A_213 : memref<128xi32, #tpu.memory_space<vmem>>) semaphore(%arg10 : memref<!tpu.dma_semaphore, #tpu.memory_space<semaphore_mem>>) {add = true}
      } else {
      }
      %mul3A_195 = arith.constant 4 : i32
      %mul3A_196 = arith.muli %mul3A_195, %scan3A_156 : i32
      %add3A_197 = arith.constant 3 : i32
      %add3A_198 = arith.addi %mul3A_196, %add3A_197 : i32
      %dma_wait3A_199 = arith.constant 0 : i32
      %dma_wait3A_200 = tpu.memref_slice %arg5[%add3A_198, %dma_wait3A_199] : memref<80x128xi32, #tpu.memory_space<vmem>> -> memref<1x128xi32, #tpu.memory_space<vmem>>
      %dma_wait3A_201 = tpu.memref_squeeze %dma_wait3A_200 : memref<1x128xi32, #tpu.memory_space<vmem>> -> memref<128xi32, #tpu.memory_space<vmem>>
      %dma_wait3A_202 = arith.constant 0 : i32
      %dma_wait3A_203 = tpu.memref_slice %arg4[%dma_wait3A_202] : memref<10240xf32, #tpu.memory_space<vmem_shared>> -> memref<10240xf32, #tpu.memory_space<vmem_shared>>
      tpu.wait_indirect_dma semaphore(%arg11 : memref<!tpu.dma_semaphore, #tpu.memory_space<semaphore_mem>>) src(%arg6 : memref<128xf32, #tpu.memory_space<vmem>>) dst(%dma_wait3A_203 : memref<10240xf32, #tpu.memory_space<vmem_shared>>)
      %lt3A_204 = arith.constant 19 : i32
      %lt3A_205 = arith.cmpi slt, %scan3A_156, %lt3A_204 : i32
      %convert_element_type3A_206 = arith.extui %lt3A_205 : i1 to i32
      %cond3A_207 = arith.constant 0 : i32
      %cond3A_208 = arith.cmpi ne, %convert_element_type3A_206, %cond3A_207 : i32
      scf.if %cond3A_208 {
        %add3A_209 = arith.constant 4 : i32
        %add3A_210 = arith.addi %add3A_198, %add3A_209 : i32
        %dma_start3A_211 = arith.constant 0 : i32
        %dma_start3A_212 = tpu.memref_slice %arg5[%add3A_210, %dma_start3A_211] : memref<80x128xi32, #tpu.memory_space<vmem>> -> memref<1x128xi32, #tpu.memory_space<vmem>>
        %dma_start3A_213 = tpu.memref_squeeze %dma_start3A_212 : memref<1x128xi32, #tpu.memory_space<vmem>> -> memref<128xi32, #tpu.memory_space<vmem>>
        %dma_start3A_214 = arith.constant 0 : i32
        %dma_start3A_215 = tpu.memref_slice %arg4[%dma_start3A_214] : memref<10240xf32, #tpu.memory_space<vmem_shared>> -> memref<10240xf32, #tpu.memory_space<vmem_shared>>
        tpu.enqueue_indirect_dma source(%arg6 : memref<128xf32, #tpu.memory_space<vmem>>) target(%dma_start3A_215 : memref<10240xf32, #tpu.memory_space<vmem_shared>>) offsets(%dma_start3A_213 : memref<128xi32, #tpu.memory_space<vmem>>) semaphore(%arg11 : memref<!tpu.dma_semaphore, #tpu.memory_space<semaphore_mem>>) {add = true}
      } else {
      }
    }
    %scan3A_144 = arith.constant 20 : i32
    %mul3A_145 = arith.constant 640 : i32
    %mul3A_146 = arith.muli %arg1, %mul3A_145 : i32
    "tpu.region"() ({
      %run_scoped3A = tpu.sem_alloc : memref<!tpu.dma_semaphore, #tpu.memory_space<semaphore_mem>>
      %dma_start3A_156 = tpu.memref_slice %arg4[%mul3A_146] : memref<10240xf32, #tpu.memory_space<vmem_shared>> -> memref<128xf32, #tpu.memory_space<vmem_shared>>
      %dma_start3A_157 = tpu.memref_slice %arg4[%mul3A_146] : memref<10240xf32, #tpu.memory_space<vmem_shared>> -> memref<128xf32, #tpu.memory_space<vmem_shared>>
      tpu.enqueue_dma source(%dma_start3A_157 : memref<128xf32, #tpu.memory_space<vmem_shared>>) target(%arg7 : memref<128xf32, #tpu.memory_space<vmem>>) target_semaphore(%run_scoped3A : memref<!tpu.dma_semaphore, #tpu.memory_space<semaphore_mem>>)
      %dma_wait3A = tpu.memref_slice %arg4[%mul3A_146] : memref<10240xf32, #tpu.memory_space<vmem_shared>> -> memref<128xf32, #tpu.memory_space<vmem_shared>>
      %dma_wait3A_158 = tpu.memref_slice %arg4[%mul3A_146] : memref<10240xf32, #tpu.memory_space<vmem_shared>> -> memref<128xf32, #tpu.memory_space<vmem_shared>>
      tpu.wait_dma2 semaphore(%run_scoped3A : memref<!tpu.dma_semaphore, #tpu.memory_space<semaphore_mem>>) src(%dma_wait3A_158 : memref<128xf32, #tpu.memory_space<vmem_shared>>) dst(%arg7 : memref<128xf32, #tpu.memory_space<vmem>>)
      tpu.yield
    }) : () -> ()
    %barrier3A_147 = arith.constant 0 : index
    tpu.barrier barrier_id(%barrier3A_147)
    %barrier3A_148 = arith.constant 0 : index
    tpu.barrier barrier_id(%barrier3A_148)
    %mul3A_149 = arith.constant 640 : i32
    %mul3A_150 = arith.muli %arg1, %mul3A_149 : i32
    %mul3A_151 = arith.constant 10240 : i32
    %mul3A_152 = arith.muli %arg0, %mul3A_151 : i32
    %mul3A_153 = arith.constant 640 : i32
    %mul3A_154 = arith.muli %arg1, %mul3A_153 : i32
    %add3A_155 = arith.addi %mul3A_152, %mul3A_154 : i32
    "tpu.region"() ({
      %run_scoped3A = tpu.sem_alloc : memref<!tpu.dma_semaphore, #tpu.memory_space<semaphore_mem>>
      %dma_start3A_156 = tpu.memref_slice %arg3[%add3A_155] : memref<20480xf32, #tpu.memory_space<hbm>> -> memref<640xf32, #tpu.memory_space<hbm>>
      %dma_start3A_157 = tpu.memref_slice %arg4[%mul3A_150] : memref<10240xf32, #tpu.memory_space<vmem_shared>> -> memref<640xf32, #tpu.memory_space<vmem_shared>>
      tpu.enqueue_dma source(%dma_start3A_157 : memref<640xf32, #tpu.memory_space<vmem_shared>>) target(%dma_start3A_156 : memref<640xf32, #tpu.memory_space<hbm>>) target_semaphore(%run_scoped3A : memref<!tpu.dma_semaphore, #tpu.memory_space<semaphore_mem>>)
      %dma_wait3A = tpu.memref_slice %arg3[%add3A_155] : memref<20480xf32, #tpu.memory_space<hbm>> -> memref<640xf32, #tpu.memory_space<hbm>>
      %dma_wait3A_158 = tpu.memref_slice %arg4[%mul3A_150] : memref<10240xf32, #tpu.memory_space<vmem_shared>> -> memref<640xf32, #tpu.memory_space<vmem_shared>>
      tpu.wait_dma2 semaphore(%run_scoped3A : memref<!tpu.dma_semaphore, #tpu.memory_space<semaphore_mem>>) src(%dma_wait3A_158 : memref<640xf32, #tpu.memory_space<vmem_shared>>) dst(%dma_wait3A : memref<640xf32, #tpu.memory_space<hbm>>)
      tpu.yield
    }) : () -> ()
    return
  }
}

module attributes {stable_mosaic.version = 14 : i64} {
  func.func @_z_body(%arg0: i32, %arg1: memref<1000x128xf32, #tpu.memory_space<vmem>>, %arg2: memref<128x128xf32, #tpu.memory_space<vmem>>, %arg3: memref<1000x2xf32, #tpu.memory_space<vmem>>, %arg4: memref<1000x128xbf16, #tpu.memory_space<vmem>>) attributes {dimension_semantics = [#tpu.dimension_semantics<arbitrary>], iteration_bounds = array<i64: 10>, scalar_prefetch = 0 : i64, scratch_operands = 0 : i64, tpu.core_type = #tpu.core_type<tc>, window_params = [{transform_indices = @transform_0, window_bounds = array<i64: 1000, 128>}, {pipeline_mode = #tpu.pipeline_mode<synchronous>, transform_indices = @transform_1, window_bounds = array<i64: 128, 128>}, {transform_indices = @transform_2, window_bounds = array<i64: 1000, 2>}, {transform_indices = @transform_3, window_bounds = array<i64: 1000, 128>}]} {
    %get3A = arith.constant 0 : index
    %get3A_0 = arith.constant 0 : index
    %get3A_1 = vector.load %arg1[%get3A, %get3A_0] : memref<1000x128xf32, #tpu.memory_space<vmem>>, vector<1000x128xf32>
    %get3A_2 = arith.constant 0 : index
    %get3A_3 = arith.constant 0 : index
    %get3A_4 = vector.load %arg2[%get3A_2, %get3A_3] : memref<128x128xf32, #tpu.memory_space<vmem>>, vector<128x128xf32>
    %dot_general3A = arith.constant dense<0.000000e+00> : vector<1000x128xf32>
    %dot_general3A_5 = tpu.matmul %get3A_1, %get3A_4, %dot_general3A {dimension_numbers = #tpu.dot_dimension_numbers<[1], [1], [0], [0], [0, 0, 1, 0], [], []>, transpose_lhs_hint = false} : vector<1000x128xf32>, vector<128x128xf32>, vector<1000x128xf32> -> vector<1000x128xf32>
    %get3A_6 = arith.constant 0 : index
    %get3A_7 = arith.constant 0 : index
    %get3A_8 = vector.load %arg3[%get3A_6, %get3A_7] : memref<1000x2xf32, #tpu.memory_space<vmem>>, vector<1000x1xf32>
    %get3A_9 = arith.constant 0 : index
    %get3A_10 = arith.constant 1 : index
    %get3A_11 = vector.load %arg3[%get3A_9, %get3A_10] : memref<1000x2xf32, #tpu.memory_space<vmem>>, vector<1000x1xf32>
    %add3A = arith.addf %get3A_8, %get3A_11 : vector<1000x1xf32>
    %gt3A = arith.constant 0.000000e+00 : f32
    %gt3A_12 = vector.broadcast %gt3A : f32 to vector<1000x1xf32>
    %gt3A_13 = arith.cmpf ogt, %add3A, %gt3A_12 : vector<1000x1xf32>
    %rsqrt3A = math.rsqrt %add3A : vector<1000x1xf32>
    %jit3A = arith.constant 0.000000e+00 : f32
    %broadcast_in_dim3A = vector.broadcast %jit3A : f32 to vector<1000x1xf32>
    %select_n3A = arith.select %gt3A_13, %rsqrt3A, %broadcast_in_dim3A : vector<1000x1xi1>, vector<1000x1xf32>
    %mul3A = vector.broadcast %select_n3A : vector<1000x1xf32> to vector<1000x128xf32>
    %mul3A_14 = arith.mulf %dot_general3A_5, %mul3A : vector<1000x128xf32>
    %convert_element_type3A = arith.truncf %mul3A_14 : vector<1000x128xf32> to vector<1000x128xbf16>
    %swap3A = arith.constant 0 : index
    %swap3A_15 = arith.constant 0 : index
    %swap3A_16 = vector.load %arg4[%swap3A, %swap3A_15] : memref<1000x128xbf16, #tpu.memory_space<vmem>>, vector<1000x128xbf16>
    tpu.vector_store %arg4[%swap3A, %swap3A_15], %convert_element_type3A {strides = array<i32>} : memref<1000x128xbf16, #tpu.memory_space<vmem>>, vector<1000x128xbf16>,
    return
  }
  func.func @transform_0(%arg0: i32) -> (i32, i32) {
    %c0_i32 = arith.constant 0 : i32
    %c0_i32_0 = arith.constant 0 : i32
    return %arg0, %c0_i32 : i32, i32
  }
  func.func @transform_1(%arg0: i32) -> (i32, i32) {
    %c0_i32 = arith.constant 0 : i32
    %c0_i32_0 = arith.constant 0 : i32
    %c0_i32_1 = arith.constant 0 : i32
    return %c0_i32, %c0_i32_0 : i32, i32
  }
  func.func @transform_2(%arg0: i32) -> (i32, i32) {
    %c0_i32 = arith.constant 0 : i32
    %c0_i32_0 = arith.constant 0 : i32
    return %arg0, %c0_i32 : i32, i32
  }
  func.func @transform_3(%arg0: i32) -> (i32, i32) {
    %c0_i32 = arith.constant 0 : i32
    %c0_i32_0 = arith.constant 0 : i32
    return %arg0, %c0_i32 : i32, i32
  }
}

module attributes {stable_mosaic.version = 14 : i64} {
  func.func @_final_body(%arg0: i32, %arg1: memref<2x1000x128xf32, #tpu.memory_space<vmem>>, %arg2: memref<1000x2xf32, #tpu.memory_space<vmem>>, %arg3: memref<1x128xf32, #tpu.memory_space<vmem>>, %arg4: memref<1000x128xf32, #tpu.memory_space<vmem>>) attributes {dimension_semantics = [#tpu.dimension_semantics<arbitrary>], iteration_bounds = array<i64: 10>, scalar_prefetch = 0 : i64, scratch_operands = 0 : i64, tpu.core_type = #tpu.core_type<tc>, window_params = [{transform_indices = @transform_0, window_bounds = array<i64: 2, 1000, 128>}, {transform_indices = @transform_1, window_bounds = array<i64: 1000, 2>}, {pipeline_mode = #tpu.pipeline_mode<synchronous>, transform_indices = @transform_2, window_bounds = array<i64: 1, 128>}, {transform_indices = @transform_3, window_bounds = array<i64: 1000, 128>}]} {
    %get3A = arith.constant 0 : index
    %get3A_0 = arith.constant 0 : index
    %get3A_1 = arith.constant 0 : index
    %get3A_2 = vector.load %arg1[%get3A, %get3A_0, %get3A_1] : memref<2x1000x128xf32, #tpu.memory_space<vmem>>, vector<1x1000x128xf32>
    %get3A_3 = vector.shape_cast %get3A_2 : vector<1x1000x128xf32> to vector<1000x128xf32>
    %get3A_4 = arith.constant 1 : index
    %get3A_5 = arith.constant 0 : index
    %get3A_6 = arith.constant 0 : index
    %get3A_7 = vector.load %arg1[%get3A_4, %get3A_5, %get3A_6] : memref<2x1000x128xf32, #tpu.memory_space<vmem>>, vector<1x1000x128xf32>
    %get3A_8 = vector.shape_cast %get3A_7 : vector<1x1000x128xf32> to vector<1000x128xf32>
    %add3A = arith.addf %get3A_3, %get3A_8 : vector<1000x128xf32>
    %get3A_9 = arith.constant 0 : index
    %get3A_10 = arith.constant 0 : index
    %get3A_11 = vector.load %arg2[%get3A_9, %get3A_10] : memref<1000x2xf32, #tpu.memory_space<vmem>>, vector<1000x1xf32>
    %get3A_12 = arith.constant 0 : index
    %get3A_13 = arith.constant 1 : index
    %get3A_14 = vector.load %arg2[%get3A_12, %get3A_13] : memref<1000x2xf32, #tpu.memory_space<vmem>>, vector<1000x1xf32>
    %add3A_15 = arith.addf %get3A_11, %get3A_14 : vector<1000x1xf32>
    %gt3A = arith.constant 0.000000e+00 : f32
    %gt3A_16 = vector.broadcast %gt3A : f32 to vector<1000x1xf32>
    %gt3A_17 = arith.cmpf ogt, %add3A_15, %gt3A_16 : vector<1000x1xf32>
    %rsqrt3A = math.rsqrt %add3A_15 : vector<1000x1xf32>
    %jit3A = arith.constant 0.000000e+00 : f32
    %broadcast_in_dim3A = vector.broadcast %jit3A : f32 to vector<1000x1xf32>
    %select_n3A = arith.select %gt3A_17, %rsqrt3A, %broadcast_in_dim3A : vector<1000x1xi1>, vector<1000x1xf32>
    %mul3A = vector.broadcast %select_n3A : vector<1000x1xf32> to vector<1000x128xf32>
    %mul3A_18 = arith.mulf %add3A, %mul3A : vector<1000x128xf32>
    %get3A_19 = arith.constant 0 : index
    %get3A_20 = arith.constant 0 : index
    %get3A_21 = vector.load %arg3[%get3A_19, %get3A_20] : memref<1x128xf32, #tpu.memory_space<vmem>>, vector<1x128xf32>
    %add3A_22 = vector.broadcast %get3A_21 : vector<1x128xf32> to vector<1000x128xf32>
    %add3A_23 = arith.addf %mul3A_18, %add3A_22 : vector<1000x128xf32>
    %swap3A = arith.constant 0 : index
    %swap3A_24 = arith.constant 0 : index
    %swap3A_25 = vector.load %arg4[%swap3A, %swap3A_24] : memref<1000x128xf32, #tpu.memory_space<vmem>>, vector<1000x128xf32>
    tpu.vector_store %arg4[%swap3A, %swap3A_24], %add3A_23 {strides = array<i32>} : memref<1000x128xf32, #tpu.memory_space<vmem>>, vector<1000x128xf32>,
    return
  }
  func.func @transform_0(%arg0: i32) -> (i32, i32, i32) {
    %c0_i32 = arith.constant 0 : i32
    %c0_i32_0 = arith.constant 0 : i32
    %c0_i32_1 = arith.constant 0 : i32
    return %c0_i32, %arg0, %c0_i32_0 : i32, i32, i32
  }
  func.func @transform_1(%arg0: i32) -> (i32, i32) {
    %c0_i32 = arith.constant 0 : i32
    %c0_i32_0 = arith.constant 0 : i32
    return %arg0, %c0_i32 : i32, i32
  }
  func.func @transform_2(%arg0: i32) -> (i32, i32) {
    %c0_i32 = arith.constant 0 : i32
    %c0_i32_0 = arith.constant 0 : i32
    %c0_i32_1 = arith.constant 0 : i32
    return %c0_i32, %c0_i32_0 : i32, i32
  }
  func.func @transform_3(%arg0: i32) -> (i32, i32) {
    %c0_i32 = arith.constant 0 : i32
    %c0_i32_0 = arith.constant 0 : i32
    return %arg0, %c0_i32 : i32, i32
  }
}

</mosaic_0001>

<sc_bundles>
// kernel: kernel.6.cloned.1.call-start
scs
__scs_entry_jumppad:
0x0: {  	(pc) =	sbr.rel $0x88, $3  }
0x1: {  	(tag) =	ssettag $0x0;
	lr =	simm.s32 $0x1  }
0x2: {  	[smem:$0x3F9D] =	sst lr;
	_ =	strace $0xD0000000  }
0x3: {  	_ = 	snop  }
0x4: {  	_ = 	snop  }
0x5: {  	_ = 	snop  }
0x6: {  	_ = 	snop  }
0x7: {  	_ = 	snop  }
__scs_overlays_trampoline_lowered:
0x8: {  	[smem:$0x3FAC] =	sst s0  }
0x9: {  	[smem:$0x3FAD] =	sst s1  }
0xa: {  	[smem:$0x3FAE] =	sst s2  }
0xb: {  	[smem:$0x3FAF] =	sst s3  }
0xc: {  	[smem:$0x3FB0] =	sst s4  }
0xd: {  	[smem:$0x3FB1] =	sst s5  }
0xe: {  	[smem:$0x3FB2] =	sst s6  }
0xf: {  	[smem:$0x3FB3] =	sst s7  }
0x10: {  	[smem:$0x3FB4] =	sst s8  }
0x11: {  	[smem:$0x3FB5] =	sst s9;
	s0 =	simm.s32 @!p0 $0x0  }
0x12: {  	s1 =	sld [smem:$0x3F9B];
	s0 =	simm.s32 @p0 $0x1  }
0x13: {  	[smem:$0x3FB6] =	sst s0;
	s0 =	simm.s32 @!p1 $0x0  }
0x14: {  	s2 =	sld [smem:$0x3F9A];
	s0 =	simm.s32 @p1 $0x1  }
0x15: {  	[smem:$0x3FB7] =	sst s0;
	s0 =	simm.s32 @!p2 $0x0  }
0x16: {  	s3 =	sld [smem:$0x3FDB];
	s0 =	simm.s32 @p2 $0x1  }
0x17: {  	s4 =	simm.s32 $0x1BF5;
	[smem:$0x3FB9] =	sst s0  }
0x18: {  	s0 =	sld [smem:$0x3F9C];
	_ =	swait.ge [sflag:s4], $0x0  }
0x19: {  	s7 =	sld [smem:$0x3F9D]  }
0x1a: {  	s8 =	sadd.s32 $0xFFFFE003, lr  }
0x1b: {  	s9 =	sadd.s32 $0xFFFFFEF7, lr;
	s5 =	simm.s32 $0xFFFFFFFF;
	p2 =	slt.u32 s8, $0xFFFFF086  }
0x1c: {  	p1 =	slt.u32 s9, $0xF7A;
	s5 =	simm.s32 @!p2 $0x0  }
0x1d: {  	s5 =	simm.s32 @p1 $0x1;
	p0 =	seq.s32 s7, s2  }
0x1e: {  	s7 =	smul.u32 @!p0 $0xF7A, s2;
	p2 =	seq.s32 @!p0 s5, $0x0  }
0x1f: {  	s9 =	smul.u32 $0xF7A, s1;
	s8 =	simm.s32 @!p0 $0x1BF5;
	p2 =	por !p2, p0  }
0x20: {  	[sflag:s8] =	ssyncset.s32 @!p0 $0xFFFFF086;
	s6 =	sadd.s32 @!p0 s3, s7;
	s7 =	simm.s32 @!p0 $0x108  }
0x21: {  	s3 =	sadd.s32 s3, s9;
	s6 =	sadd.s32 @!p0 $0x88, s6;
	s7 =	simm.s32 @p2 $0x1082  }
0x22: {  	[simem:s7], [sflag:s8] =	dma.local @!p0 [hbm:s6], $0xF7A  }
0x23: {  	s9 =	sor.u32 $0xD0000000, s2;
	s6 =	simm.s32 $0x108;
	_ =	swait.ge @!p0 [sflag:s8], $0x0  }
0x24: {  	s3 =	sadd.s32 $0x88, s3;
	s6 =	simm.s32 @!p1 $0x1082;
	[sflag:s4] =	ssyncset.s32 $0xFFFFF086  }
0x25: {  	[simem:s6], [sflag:s4] =	dma.local [hbm:s3], $0xF7A  }
0x26: {  	[smem:$0x3F9D] =	sst s1;
	(tag) =	ssettag s2;
	_ =	strace s9  }
0x27: {  	s1 =	sld [smem:$0x3FAD]  }
0x28: {  	s2 =	sld [smem:$0x3FAE]  }
0x29: {  	s4 =	sld [smem:$0x3FB0]  }
0x2a: {  	p0 =	seq.s32 s5, $0x0;
	s5 =	sld [smem:$0x3FB1]  }
0x2b: {  	s6 =	sld [smem:$0x3FB2]  }
0x2c: {  	s7 =	sld [smem:$0x3FB3]  }
0x2d: {  	s3 =	simm.s32 $0x108;
	s8 =	sld [smem:$0x3FB4]  }
0x2e: {  	s3 =	simm.s32 @!p0 $0x1082;
	s9 =	sld [smem:$0x3FB5]  }
0x2f: {  	lr =	sadd.s32 s0, s3;
	s0 =	sld [smem:$0x3FAC]  }
0x30: {  	s3 =	sld [smem:$0x3FAF]  }
0x31: {  	[smem:$0x3FB8] =	sst s10  }
0x32: {  	s10 =	sld [smem:$0x3FB6];
	_ =	sdelay $0x3  }
0x33: {  	p0 =	seq.s32 s10, $0x1;
	s10 =	sld [smem:$0x3FB8];
	_ =	sdelay $0x3  }
0x34: {  	[smem:$0x3FB8] =	sst s10  }
0x35: {  	s10 =	sld [smem:$0x3FB7];
	_ =	sdelay $0x3  }
0x36: {  	p1 =	seq.s32 s10, $0x1;
	s10 =	sld [smem:$0x3FB8];
	_ =	sdelay $0x3  }
0x37: {  	[smem:$0x3FB8] =	sst s10  }
0x38: {  	s10 =	sld [smem:$0x3FB9]  }
0x39: {  	_ = 	snop;
	(pc) =	sbr.ind lr, $3  }
0x3a: {  	_ = 	snop  }
0x3b: {  	_ = 	snop  }
0x3c: {  	p2 =	seq.s32 s10, $0x1;
	s10 =	sld [smem:$0x3FB8]  }
0x3d: {  	_ =	shalt  }
0x3e: {  	_ =	shalt  }
0x3f: {  	_ =	shalt  }
0x40: {  	_ =	shalt  }
0x41: {  	_ =	shalt  }
0x42: {  	_ =	shalt  }
0x43: {  	_ =	shalt  }
0x44: {  	_ =	shalt  }
0x45: {  	_ =	shalt  }
0x46: {  	_ =	shalt  }
0x47: {  	_ =	shalt  }
0x48: {  	_ =	shalt  }
0x49: {  	_ =	shalt  }
0x4a: {  	_ =	shalt  }
0x4b: {  	_ =	shalt  }
0x4c: {  	_ =	shalt  }
0x4d: {  	_ =	shalt  }
0x4e: {  	_ =	shalt  }
0x4f: {  	_ =	shalt  }
0x50: {  	_ =	shalt  }
0x51: {  	_ =	shalt  }
0x52: {  	_ =	shalt  }
0x53: {  	_ =	shalt  }
0x54: {  	_ =	shalt  }
0x55: {  	_ =	shalt  }
0x56: {  	_ =	shalt  }
0x57: {  	_ =	shalt  }
0x58: {  	_ =	shalt  }
0x59: {  	_ =	shalt  }
0x5a: {  	_ =	shalt  }
0x5b: {  	_ =	shalt  }
0x5c: {  	_ =	shalt  }
0x5d: {  	_ =	shalt  }
0x5e: {  	_ =	shalt  }
0x5f: {  	_ =	shalt  }
0x60: {  	_ =	shalt  }
0x61: {  	_ =	shalt  }
0x62: {  	_ =	shalt  }
0x63: {  	_ =	shalt  }
0x64: {  	_ =	shalt  }
0x65: {  	_ =	shalt  }
0x66: {  	_ =	shalt  }
0x67: {  	_ =	shalt  }
0x68: {  	_ =	shalt  }
0x69: {  	_ =	shalt  }
0x6a: {  	_ =	shalt  }
0x6b: {  	_ =	shalt  }
0x6c: {  	_ =	shalt  }
0x6d: {  	_ =	shalt  }
0x6e: {  	_ =	shalt  }
0x6f: {  	_ =	shalt  }
0x70: {  	_ =	shalt  }
0x71: {  	_ =	shalt  }
0x72: {  	_ =	shalt  }
0x73: {  	_ =	shalt  }
0x74: {  	_ =	shalt  }
0x75: {  	_ =	shalt  }
0x76: {  	_ =	shalt  }
0x77: {  	_ =	shalt  }
0x78: {  	_ =	shalt  }
0x79: {  	_ =	shalt  }
0x7a: {  	_ =	shalt  }
0x7b: {  	_ =	shalt  }
0x7c: {  	_ =	shalt  }
0x7d: {  	_ =	shalt  }
0x7e: {  	_ =	shalt  }
0x7f: {  	_ =	shalt  }
0x80: {  	_ =	shalt  }
0x81: {  	_ =	shalt  }
0x82: {  	_ =	shalt  }
0x83: {  	_ =	shalt  }
0x84: {  	_ =	shalt  }
0x85: {  	_ =	shalt  }
0x86: {  	_ =	shalt  }
0x87: {  	_ =	shalt  }
.Lfunc_end0:
.L_simem_size_0:
called_computation_lowered:
.L_overlay_start_0:
0x88: {  	s2 =	sld [smem:$0x3FD9]  }
0x89: {  	s3 =	sld [smem:$0x3FFE];
	_ =	sdelay $0x1  }
0x8a: {  	s1 =	srdreg.scid  }
0x8b: {  	s0 =	sand.u32 $0x1, s1  }
0x8c: {  	s16 =	sshll.u32 s0, $0xA;
	s2 =	sadd.s32 s3, s2  }
0x8d: {  	s2 =	sadd.s32 s2, s16  }
0x8e: {  	[smem:$0x3FC4] =	sst s2  }
0x8f: {  	_ = 	snop  }
0x90: {  	(tm) =	ssettm $0x1  }
0x91: {  	s17 =	sld [smem:$0x3FFB];
	_ =	sdelay $0x3  }
0x92: {  	_ =	strace s17  }
0x93: {  	s2 =	sld [smem:$0x3FFC];
	_ =	sdelay $0x3  }
0x94: {  	_ =	strace s2  }
0x95: {  	s2 =	sld [smem:$0x3FFD];
	_ =	sdelay $0x3  }
0x96: {  	_ =	strace s2  }
0x97: {  	_ =	strace $0x8FFFFFFF  }
0x98: {  	s18 =	sld [smem:$0x3FDB];
	_ =	sdelay $0x1  }
0x99: {  	s19 =	simm.s32 $_scs_section_size  }
0x9a: {  	s4 =	simm.s32 $_size__tile_overlayer_lowered;
	s5 =	simm.s32 $_tile_overlayer_lowered  }
0x9b: {  	s22 =	simm.s32 $0x1BFF;
	s21 =	sshll.u32 s5, $0x1;
	s2 =	sadd.s32 s19, s18  }
0x9c: {  	s6 =	simm.s32 $0x0;
	s20 =	sshll.u32 s4, $0x1;
	s4 =	sadd.s32 s21, s2  }
0x9d: {  	[timem:s6], [sflag:s22] =	dma.local [hbm:s4], s20  }
0x9e: {  	_ =	swait.ge [sflag:s22], s20  }
0x9f: {  	s3 =	ssub.s32 $0x0, s20;
	[sflag:s22] =	ssyncset.done $0x0  }
0xa0: {  	[sflag:s22] =	ssyncadd.s32 s3;
	_ =	sdelay $0x1  }
0xa1: {  	s23 =	simm.s32 $0x1B8B  }
0xa2: {  	_ =	swait.ge [sflag:s23], $0x1  }
0xa3: {  	[sflag:s23] =	ssyncset.done $0x0  }
0xa4: {  	s25 =	simm.s32 $0x1B8E;
	s24 =	sld [smem:$0x3FFE];
	[sflag:s23] =	ssyncadd.s32 $0xFFFFFFFF  }
0xa5: {  	s26 =	simm.s32 $execute0_lowered;
	[smem:$0x3FD2] =	sst s25  }
0xa6: {  	s4 =	sshll.u32 s26, $0x1;
	_ =	strace $0x80000046;
	[dreg:$0x1] =	wrdreg $0xFFFFFFFF  }
0xa7: {  	s28 =	simm.s32 $_size_execute0_lowered;
	s2 =	sadd.s32 s2, s4;
	[dreg:$0x0] =	wrdreg $0x0  }
0xa8: {  	s4 =	sshll.u32 s28, $0x1;
	[dreg:$0x2] =	wrdreg s2  }
0xa9: {  	[dreg:$0x3] =	wrdreg s4  }
0xaa: {  	[dreg:$0x4] =	wrdreg $0xC0  }
0xab: {  	_ =	task [dreg:s6], $0x5FFFF  }
0xac: {  	[dreg:$0x1] =	wrdreg $0xFFFFFFFF  }
0xad: {  	[dreg:$0x0] =	wrdreg $0x60  }
0xae: {  	[dreg:$0x2] =	wrdreg s24  }
0xaf: {  	[dreg:$0x3] =	wrdreg $0x0  }
0xb0: {  	[dreg:$0x4] =	wrdreg $0x9  }
0xb1: {  	_ =	task.clear_ibuf [dreg:s6], $0x5FFFF;
	_ =	strace $0x90000046  }
0xb2: {  	s29 =	simm.s32 $0x9;
	_ =	strace $0x80000048  }
0xb3: {  	_ =	swait.ge [sflag:s29], $0x1  }
0xb4: {  	[sflag:s29] =	ssyncadd.s32 $0xFFFFFFFF  }
0xb5: {  	_ =	strace $0x90000048  }
0xb6: {  	_ =	sfence  }
0xb7: {  	s30 =	sld [smem:$0x0];
	_ =	sdelay $0x2  }
0xb8: {  	s31 =	sshll.u32 s1, $0xD;
	s1 =	sshrl.u32 s1, $0x2  }
0xb9: {  	s3 =	sand.u32 $0x4000, s31;
	s1 =	sadd.s32 s1, s30  }
0xba: {  	s0 =	sor.u32 s3, s0;
	s1 =	sshll.u32 s1, $0x11  }
0xbb: {  	s0 =	sor.u32 s1, s0  }
0xbc: {  	s0 =	sadd.s32 $0x8F2B, s0  }
0xbd: {  	[sflag:s0] =	ssyncadd.remote.s32 $0x1  }
0xbe: {  	_ =	sfence.sel $0xFFFF  }
0xbf: {  	[dreg:$0x0] =	wrdreg $0xFFFFFFFF;
	(pc) =	sbr.abs _section_cstart, $3  }
0xc0: {  	[dreg:$0x1] =	wrdreg $0xFFFFFFFF  }
0xc1: {  	_ =	task.clear_ibuf [dreg:s6], $0x2FFFF;
	_ =	strace $0x9FFFFFFF  }
0xc2: {  	(tm) =	ssettm $0x7FFFFFFF  }
0xc3: {  	_ =	shalt  }
tec
execute0_lowered:
.L_overlay_start_1:
0x0: {  	(tag) =	ssettag $0x1  }
0x1: {  	s4 =	rddreg [dreg:$0x0]  }
0x2: {  	s0 =	srdreg.scid;
	s2 =	rddreg [dreg:$0x1]  }
0x3: {  	s1 =	stileid.u32;
	s3 =	simm.s32 $0x0;
	s12 =	simm.s32 $0x2B00  }
0x4: {  	s13 =	simm.s32 $0x5;
	s14 =	simm.s32 $0x280;
	s15 =	simm.s32 $0x80  }
0x5: {  	s16 =	simm.s32 $0x2A80;
	s17 =	simm.s32 $0x300;
	s18 =	simm.s32 $0x380  }
0x6: {  	s19 =	simm.s32 $0x400;
	s20 =	simm.s32 $0x1;
	s21 =	simm.s32 $0x2  }
0x7: {  	s22 =	simm.s32 $0x3;
	s23 =	simm.s32 $0x4;
	s26 =	simm.s32 $0x0  }
0x8: {  	s5 =	sand.u32 $0x1, s0;
	s0 =	rddreg [dreg:$0x2];
	s7 =	smul.u32 $0x280, s1  }
0x9: {  	[smem:$0x7FF] =	sst s3;
	s6 =	sshll.u32 s5, $0x4;
	s8 =	smul.u32 $0x2800, s5  }
0xa: {  	s24 =	sshll.u32 s1, $0x6;
	s5 =	ssub.s32 $0x2, s5;
	s6 =	sor.u32 s1, s6  }
0xb: {  	s31 =	sshrl.u32 s5, $0x1;
	s6 =	smul.u32 $0x500, s6;
	s8 =	sadd.s32 s7, s8  }
0xc: {  	_ =	strace $0x80000047;
	s11 =	ssub.s32 s5, s31;
	s30 =	sshrl.u32 s8, $0x3  }
0xd: {  	s9 =	sadd.s32 s6, s4;
	s10 =	sadd.s32 s30, s4;
	s4 =	sadd.s32 s7, s2  }
0xe: {  	s24 =	sor.u32 $0x1C05, s24;
	s11 =	smax.u32 s11, $0x1;
	s5 =	sadd.s32 $0x80, s4  }
0xf: {  	s6 =	sadd.s32 $0x100, s4;
	s7 =	sadd.s32 $0x180, s4;
	s8 =	sadd.s32 $0x200, s4  }
0x10: {  	v0 =	vimm.f32 $1.000000000e+00;
	v1 =	vimm.f32 $0.0e+00;
	s9 =	sadd.s32 $0x1000, s9;
	s10 =	sadd.s32 $0xB000, s10;
	s25 =	sshrl.u32 s4, $0x3  }
.LBB2_1:
0x11: {  	[tilespmem:$0x2A80] =	vst v0  }
0x12: {  	[tilespmem:$0x2B00] =	vst v1  }
0x13: {  	[tilespmem:$0x2A90] =	vst v0  }
0x14: {  	[tilespmem:$0x2B10] =	vst v1  }
0x15: {  	[tilespmem:$0x2AA0] =	vst v0  }
0x16: {  	[tilespmem:$0x2B20] =	vst v1  }
0x17: {  	[tilespmem:$0x2AB0] =	vst v0  }
0x18: {  	[tilespmem:$0x2B30] =	vst v1  }
0x19: {  	[tilespmem:$0x2AC0] =	vst v0  }
0x1a: {  	[tilespmem:$0x2B40] =	vst v1  }
0x1b: {  	[tilespmem:$0x2AD0] =	vst v0  }
0x1c: {  	[tilespmem:$0x2B50] =	vst v1  }
0x1d: {  	[tilespmem:$0x2AE0] =	vst v0  }
0x1e: {  	[tilespmem:$0x2B60] =	vst v1  }
0x1f: {  	[tilespmem:$0x2AF0] =	vst v0  }
0x20: {  	[tilespmem:$0x2B70] =	vst v1  }
0x21: {  	[spmem:s4] =	stream.linear.scatter [tilespmem:s12], [sflag:$0x5], $0x80, $0x38;
	[tilespmem:$0x2B80] =	vst v63  }
0x22: {  	_ =	swait.ge [sflag:s13], $0x80  }
0x23: {  	[sflag:s13] =	ssyncset.done $0x0  }
0x24: {  	[sflag:s13] =	ssyncadd.s32 $0xFFFFFF80  }
0x25: {  	[spmem:s5] =	stream.linear.scatter [tilespmem:s12], [sflag:$0x5], $0x80, $0x38;
	[tilespmem:$0x2B80] =	vst v63  }
0x26: {  	_ =	swait.ge [sflag:s13], $0x80  }
0x27: {  	[sflag:s13] =	ssyncset.done $0x0  }
0x28: {  	[sflag:s13] =	ssyncadd.s32 $0xFFFFFF80  }
0x29: {  	[spmem:s6] =	stream.linear.scatter [tilespmem:s12], [sflag:$0x5], $0x80, $0x38;
	[tilespmem:$0x2B80] =	vst v63  }
0x2a: {  	_ =	swait.ge [sflag:s13], $0x80  }
0x2b: {  	[sflag:s13] =	ssyncset.done $0x0  }
0x2c: {  	[sflag:s13] =	ssyncadd.s32 $0xFFFFFF80  }
0x2d: {  	[spmem:s7] =	stream.linear.scatter [tilespmem:s12], [sflag:$0x5], $0x80, $0x38;
	[tilespmem:$0x2B80] =	vst v63  }
0x2e: {  	_ =	swait.ge [sflag:s13], $0x80  }
0x2f: {  	[sflag:s13] =	ssyncset.done $0x0  }
0x30: {  	[sflag:s13] =	ssyncadd.s32 $0xFFFFFF80  }
0x31: {  	[spmem:s8] =	stream.linear.scatter [tilespmem:s12], [sflag:$0x5], $0x80, $0x38;
	[tilespmem:$0x2B80] =	vst v63  }
0x32: {  	_ =	swait.ge [sflag:s13], $0x80  }
0x33: {  	[sflag:s13] =	ssyncset.done $0x0  }
0x34: {  	[sflag:s13] =	ssyncadd.s32 $0xFFFFFF80  }
0x35: {  	[bflag:$0x0] =	sbarrier.arrive $0xFFFF  }
0x36: {  	[tilespmem:s14], [sflag:$0x5] =	stream.linear.gather [hbm4b:s9+s3], $0x2800, $0x38;
	[tilespmem:$0x2B80] =	vst v63  }
0x37: {  	_ =	swait.ge [sflag:s13], $0x2800  }
0x38: {  	[sflag:s13] =	ssyncset.done $0x0  }
0x39: {  	[sflag:s13] =	ssyncadd.s32 $0xFFFFD800  }
0x3a: {  	[spmem:s2] =	stream.indirect.scatter.add.f32 [tilespmem:s16], [sflag:$0x1], $0x1, s14, s15, $0xb8;
	[tilespmem:$0x2B80] =	vst v63  }
0x3b: {  	_ = 	snop  }
0x3c: {  	[spmem:s2] =	stream.indirect.scatter.add.f32 [tilespmem:s16], [sflag:$0x2], $0x1, s17, s15, $0xb8;
	[tilespmem:$0x2B80] =	vst v63  }
0x3d: {  	_ = 	snop  }
0x3e: {  	[spmem:s2] =	stream.indirect.scatter.add.f32 [tilespmem:s16], [sflag:$0x3], $0x1, s18, s15, $0xb8;
	[tilespmem:$0x2B80] =	vst v63  }
0x3f: {  	_ = 	snop  }
0x40: {  	[spmem:s2] =	stream.indirect.scatter.add.f32 [tilespmem:s16], [sflag:$0x4], $0x1, s19, s15, $0xb8;
	[tilespmem:$0x2B80] =	vst v63  }
0x41: {  	_ =	swait.ge [sflag:s20], $0x80  }
0x42: {  	[sflag:s20] =	ssyncset.done $0x0  }
0x43: {  	s28 =	simm.s32 $0x480;
	[sflag:s20] =	ssyncadd.s32 $0xFFFFFF80  }
0x44: {  	[spmem:s2] =	stream.indirect.scatter.add.f32 [tilespmem:s16], [sflag:$0x1], $0x1, s28, s15, $0xb8;
	[tilespmem:$0x2B80] =	vst v63  }
0x45: {  	_ =	swait.ge [sflag:s21], $0x80  }
0x46: {  	[sflag:s21] =	ssyncset.done $0x0  }
0x47: {  	s28 =	simm.s32 $0x500;
	[sflag:s21] =	ssyncadd.s32 $0xFFFFFF80  }
0x48: {  	[spmem:s2] =	stream.indirect.scatter.add.f32 [tilespmem:s16], [sflag:$0x2], $0x1, s28, s15, $0xb8;
	[tilespmem:$0x2B80] =	vst v63  }
0x49: {  	_ =	swait.ge [sflag:s22], $0x80  }
0x4a: {  	[sflag:s22] =	ssyncset.done $0x0  }
0x4b: {  	s28 =	simm.s32 $0x580;
	[sflag:s22] =	ssyncadd.s32 $0xFFFFFF80  }
0x4c: {  	[spmem:s2] =	stream.indirect.scatter.add.f32 [tilespmem:s16], [sflag:$0x3], $0x1, s28, s15, $0xb8;
	[tilespmem:$0x2B80] =	vst v63  }
0x4d: {  	_ =	swait.ge [sflag:s23], $0x80  }
0x4e: {  	[sflag:s23] =	ssyncset.done $0x0  }
0x4f: {  	s29 =	simm.s32 $0x600;
	s28 =	simm.s32 $0xFFFF7000;
	[sflag:s23] =	ssyncadd.s32 $0xFFFFFF80  }
.LBB2_2:
0x50: {  	[spmem:s2] =	stream.indirect.scatter.add.f32 [tilespmem:s16], [sflag:$0x4], $0x1, s29, s15, $0xb8;
	[tilespmem:$0x2B80] =	vst v63  }
0x51: {  	s29 =	smov.u32 s28  }
0x52: {  	p0 =	sne.s32 s28, $0xFFFFF800;
	s28 =	sadd.s32 $0x800, s28;
	_ =	swait.ge [sflag:s20], $0x80  }
0x53: {  	s29 =	sshra.s32 s29, $0x2;
	[sflag:s20] =	ssyncset.done $0x0  }
0x54: {  	s30 =	sadd.s32 $0x2A80, s29;
	[sflag:s20] =	ssyncadd.s32 $0xFFFFFF80  }
0x55: {  	[spmem:s2] =	stream.indirect.scatter.add.f32 [tilespmem:s16], [sflag:$0x1], $0x1, s30, s15, $0xb8;
	[tilespmem:$0x2B80] =	vst v63  }
0x56: {  	_ =	swait.ge [sflag:s21], $0x80  }
0x57: {  	[sflag:s21] =	ssyncset.done $0x0  }
0x58: {  	s30 =	sadd.s32 $0x2B00, s29;
	[sflag:s21] =	ssyncadd.s32 $0xFFFFFF80  }
0x59: {  	[spmem:s2] =	stream.indirect.scatter.add.f32 [tilespmem:s16], [sflag:$0x2], $0x1, s30, s15, $0xb8;
	[tilespmem:$0x2B80] =	vst v63  }
0x5a: {  	_ =	swait.ge [sflag:s22], $0x80  }
0x5b: {  	[sflag:s22] =	ssyncset.done $0x0  }
.Ltmp0:
0x5c: {  	s30 =	sadd.s32 $0x2B80, s29;
	[sflag:s22] =	ssyncadd.s32 $0xFFFFFF80;
	(pc) =	sbr.rel @p0 .LBB2_2-.Ltmp0, $4  }
0x5d: {  	[spmem:s2] =	stream.indirect.scatter.add.f32 [tilespmem:s16], [sflag:$0x3], $0x1, s30, s15, $0xb8;
	[tilespmem:$0x2B80] =	vst v63  }
0x5e: {  	_ =	swait.ge [sflag:s23], $0x80  }
0x5f: {  	[sflag:s23] =	ssyncset.done $0x0  }
0x60: {  	s29 =	sadd.s32 $0x2C00, s29;
	[sflag:s23] =	ssyncadd.s32 $0xFFFFFF80  }
0x61: {  	[spmem:s2] =	stream.indirect.scatter.add.f32 [tilespmem:s16], [sflag:$0x4], $0x1, s29, s15, $0xb8;
	[tilespmem:$0x2B80] =	vst v63  }
0x62: {  	_ =	swait.ge [sflag:s20], $0x80  }
0x63: {  	[sflag:s20] =	ssyncset.done $0x0  }
0x64: {  	[sflag:s20] =	ssyncadd.s32 $0xFFFFFF80  }
0x65: {  	_ =	swait.ge [sflag:s21], $0x80  }
0x66: {  	[sflag:s21] =	ssyncset.done $0x0  }
0x67: {  	[sflag:s21] =	ssyncadd.s32 $0xFFFFFF80  }
0x68: {  	_ =	swait.ge [sflag:s22], $0x80  }
0x69: {  	[sflag:s22] =	ssyncset.done $0x0  }
0x6a: {  	[sflag:s22] =	ssyncadd.s32 $0xFFFFFF80  }
0x6b: {  	_ =	swait.ge [sflag:s23], $0x80  }
0x6c: {  	[sflag:s23] =	ssyncset.done $0x0  }
0x6d: {  	[sflag:s23] =	ssyncadd.s32 $0xFFFFFF80  }
0x6e: {  	[tilespmem:s12], [sflag:$0x5] =	stream.linear.gather [spmem:s4], $0x80, $0x38;
	[tilespmem:$0x2B80] =	vst v63  }
0x6f: {  	_ =	swait.ge [sflag:s13], $0x80  }
0x70: {  	[sflag:s13] =	ssyncset.done $0x0  }
0x71: {  	s26 =	sadd.s32 $0x1, s26;
	[sflag:s13] =	ssyncadd.s32 $0xFFFFFF80  }
0x72: {  	p0 =	sne.s32 s26, s11;
	[bflag:$0x0] =	sbarrier.arrive $0xFFFF  }
.Ltmp1:
0x73: {  	[bflag:$0x0] =	sbarrier.arrive $0xFFFF;
	(pc) =	sbr.rel @p0 .LBB2_1-.Ltmp1, $4  }
0x74: {  	[hbm:s10], [sflag:s24] =	dma.local [spmem:s25], $0x50  }
0x75: {  	_ =	swait.ge [sflag:s13], $0x50  }
0x76: {  	[sflag:s13] =	ssyncset.done $0x0  }
0x77: {  	[sflag:s13] =	ssyncadd.s32 $0xFFFFFFB0  }
0x78: {  	_ =	sfence.sel $0x180000  }
0x79: {  	[bflag:$0x0] =	sbarrier.arrive $0xFFFF  }
0x7a: {  	p0 =	sne.s32 s1, $0x0;
	_ =	strace $0x90000047  }
0x7b: {  	s0 =	sadd.s32 @!p0 $0x100000, s0;
	[bflag:$0x2] =	sbarrier.arrive $0xFFFF  }
0x7c: {  	[sflag:s0] =	ssyncadd.tile.s32 @!p0 $0x1;
	_ =	shalt  }
.Lfunc_end2:
_tile_overlayer_lowered:
.L_overlay_start_2:
0x7d: {  	(tag) =	ssettag $0x2  }
0x7e: {  	s0 =	rddreg [dreg:$0x0];
	s2 =	stileid.u32  }
0x7f: {  	s1 =	rddreg [dreg:$0x1];
	p0 =	sne.s32 s2, $0x0  }
0x80: {  	s3 =	rddreg [dreg:$0x2];
	[bflag:$0x3] =	sbarrier.arrive $0xFFFF;
	s2 =	simm.s32 @!p0 $0x1C05  }
0x81: {  	[timem:s3], [sflag:s2] =	dma.local @!p0 [hbm:s0], s1  }
0x82: {  	s0 =	simm.s32 @!p0 $0x5  }
0x83: {  	_ =	swait.ge @!p0 [sflag:s0], s1  }
0x84: {  	s1 =	ssub.s32 @!p0 $0x0, s1;
	[sflag:s0] =	ssyncset.done @!p0 $0x0  }
0x85: {  	[sflag:s0] =	ssyncadd.s32 @!p0 s1  }
0x86: {  	[bflag:$0x3] =	sbarrier.arrive $0xFFFF  }
0x87: {  	_ =	shalt  }

// kernel: kernel.9.cloned.1.call-start
scs
__scs_entry_jumppad:
0x0: {  	(pc) =	sbr.rel $0x88, $3  }
0x1: {  	(tag) =	ssettag $0x0;
	lr =	simm.s32 $0x1  }
0x2: {  	[smem:$0x3F9D] =	sst lr;
	_ =	strace $0xD0000000  }
0x3: {  	_ = 	snop  }
0x4: {  	_ = 	snop  }
0x5: {  	_ = 	snop  }
0x6: {  	_ = 	snop  }
0x7: {  	_ = 	snop  }
__scs_overlays_trampoline_lowered:
0x8: {  	[smem:$0x3FAC] =	sst s0  }
0x9: {  	[smem:$0x3FAD] =	sst s1  }
0xa: {  	[smem:$0x3FAE] =	sst s2  }
0xb: {  	[smem:$0x3FAF] =	sst s3  }
0xc: {  	[smem:$0x3FB0] =	sst s4  }
0xd: {  	[smem:$0x3FB1] =	sst s5  }
0xe: {  	[smem:$0x3FB2] =	sst s6  }
0xf: {  	[smem:$0x3FB3] =	sst s7  }
0x10: {  	[smem:$0x3FB4] =	sst s8  }
0x11: {  	[smem:$0x3FB5] =	sst s9;
	s0 =	simm.s32 @!p0 $0x0  }
0x12: {  	s1 =	sld [smem:$0x3F9B];
	s0 =	simm.s32 @p0 $0x1  }
0x13: {  	[smem:$0x3FB6] =	sst s0;
	s0 =	simm.s32 @!p1 $0x0  }
0x14: {  	s2 =	sld [smem:$0x3F9A];
	s0 =	simm.s32 @p1 $0x1  }
0x15: {  	[smem:$0x3FB7] =	sst s0;
	s0 =	simm.s32 @!p2 $0x0  }
0x16: {  	s3 =	sld [smem:$0x3FDB];
	s0 =	simm.s32 @p2 $0x1  }
0x17: {  	s4 =	simm.s32 $0x1BF5;
	[smem:$0x3FB9] =	sst s0  }
0x18: {  	s0 =	sld [smem:$0x3F9C];
	_ =	swait.ge [sflag:s4], $0x0  }
0x19: {  	s7 =	sld [smem:$0x3F9D]  }
0x1a: {  	s8 =	sadd.s32 $0xFFFFE003, lr  }
0x1b: {  	s9 =	sadd.s32 $0xFFFFFEF7, lr;
	s5 =	simm.s32 $0xFFFFFFFF;
	p2 =	slt.u32 s8, $0xFFFFF086  }
0x1c: {  	p1 =	slt.u32 s9, $0xF7A;
	s5 =	simm.s32 @!p2 $0x0  }
0x1d: {  	s5 =	simm.s32 @p1 $0x1;
	p0 =	seq.s32 s7, s2  }
0x1e: {  	s7 =	smul.u32 @!p0 $0xF7A, s2;
	p2 =	seq.s32 @!p0 s5, $0x0  }
0x1f: {  	s9 =	smul.u32 $0xF7A, s1;
	s8 =	simm.s32 @!p0 $0x1BF5;
	p2 =	por !p2, p0  }
0x20: {  	[sflag:s8] =	ssyncset.s32 @!p0 $0xFFFFF086;
	s6 =	sadd.s32 @!p0 s3, s7;
	s7 =	simm.s32 @!p0 $0x108  }
0x21: {  	s3 =	sadd.s32 s3, s9;
	s6 =	sadd.s32 @!p0 $0x88, s6;
	s7 =	simm.s32 @p2 $0x1082  }
0x22: {  	[simem:s7], [sflag:s8] =	dma.local @!p0 [hbm:s6], $0xF7A  }
0x23: {  	s9 =	sor.u32 $0xD0000000, s2;
	s6 =	simm.s32 $0x108;
	_ =	swait.ge @!p0 [sflag:s8], $0x0  }
0x24: {  	s3 =	sadd.s32 $0x88, s3;
	s6 =	simm.s32 @!p1 $0x1082;
	[sflag:s4] =	ssyncset.s32 $0xFFFFF086  }
0x25: {  	[simem:s6], [sflag:s4] =	dma.local [hbm:s3], $0xF7A  }
0x26: {  	[smem:$0x3F9D] =	sst s1;
	(tag) =	ssettag s2;
	_ =	strace s9  }
0x27: {  	s1 =	sld [smem:$0x3FAD]  }
0x28: {  	s2 =	sld [smem:$0x3FAE]  }
0x29: {  	s4 =	sld [smem:$0x3FB0]  }
0x2a: {  	p0 =	seq.s32 s5, $0x0;
	s5 =	sld [smem:$0x3FB1]  }
0x2b: {  	s6 =	sld [smem:$0x3FB2]  }
0x2c: {  	s7 =	sld [smem:$0x3FB3]  }
0x2d: {  	s3 =	simm.s32 $0x108;
	s8 =	sld [smem:$0x3FB4]  }
0x2e: {  	s3 =	simm.s32 @!p0 $0x1082;
	s9 =	sld [smem:$0x3FB5]  }
0x2f: {  	lr =	sadd.s32 s0, s3;
	s0 =	sld [smem:$0x3FAC]  }
0x30: {  	s3 =	sld [smem:$0x3FAF]  }
0x31: {  	[smem:$0x3FB8] =	sst s10  }
0x32: {  	s10 =	sld [smem:$0x3FB6];
	_ =	sdelay $0x3  }
0x33: {  	p0 =	seq.s32 s10, $0x1;
	s10 =	sld [smem:$0x3FB8];
	_ =	sdelay $0x3  }
0x34: {  	[smem:$0x3FB8] =	sst s10  }
0x35: {  	s10 =	sld [smem:$0x3FB7];
	_ =	sdelay $0x3  }
0x36: {  	p1 =	seq.s32 s10, $0x1;
	s10 =	sld [smem:$0x3FB8];
	_ =	sdelay $0x3  }
0x37: {  	[smem:$0x3FB8] =	sst s10  }
0x38: {  	s10 =	sld [smem:$0x3FB9]  }
0x39: {  	_ = 	snop;
	(pc) =	sbr.ind lr, $3  }
0x3a: {  	_ = 	snop  }
0x3b: {  	_ = 	snop  }
0x3c: {  	p2 =	seq.s32 s10, $0x1;
	s10 =	sld [smem:$0x3FB8]  }
0x3d: {  	_ =	shalt  }
0x3e: {  	_ =	shalt  }
0x3f: {  	_ =	shalt  }
0x40: {  	_ =	shalt  }
0x41: {  	_ =	shalt  }
0x42: {  	_ =	shalt  }
0x43: {  	_ =	shalt  }
0x44: {  	_ =	shalt  }
0x45: {  	_ =	shalt  }
0x46: {  	_ =	shalt  }
0x47: {  	_ =	shalt  }
0x48: {  	_ =	shalt  }
0x49: {  	_ =	shalt  }
0x4a: {  	_ =	shalt  }
0x4b: {  	_ =	shalt  }
0x4c: {  	_ =	shalt  }
0x4d: {  	_ =	shalt  }
0x4e: {  	_ =	shalt  }
0x4f: {  	_ =	shalt  }
0x50: {  	_ =	shalt  }
0x51: {  	_ =	shalt  }
0x52: {  	_ =	shalt  }
0x53: {  	_ =	shalt  }
0x54: {  	_ =	shalt  }
0x55: {  	_ =	shalt  }
0x56: {  	_ =	shalt  }
0x57: {  	_ =	shalt  }
0x58: {  	_ =	shalt  }
0x59: {  	_ =	shalt  }
0x5a: {  	_ =	shalt  }
0x5b: {  	_ =	shalt  }
0x5c: {  	_ =	shalt  }
0x5d: {  	_ =	shalt  }
0x5e: {  	_ =	shalt  }
0x5f: {  	_ =	shalt  }
0x60: {  	_ =	shalt  }
0x61: {  	_ =	shalt  }
0x62: {  	_ =	shalt  }
0x63: {  	_ =	shalt  }
0x64: {  	_ =	shalt  }
0x65: {  	_ =	shalt  }
0x66: {  	_ =	shalt  }
0x67: {  	_ =	shalt  }
0x68: {  	_ =	shalt  }
0x69: {  	_ =	shalt  }
0x6a: {  	_ =	shalt  }
0x6b: {  	_ =	shalt  }
0x6c: {  	_ =	shalt  }
0x6d: {  	_ =	shalt  }
0x6e: {  	_ =	shalt  }
0x6f: {  	_ =	shalt  }
0x70: {  	_ =	shalt  }
0x71: {  	_ =	shalt  }
0x72: {  	_ =	shalt  }
0x73: {  	_ =	shalt  }
0x74: {  	_ =	shalt  }
0x75: {  	_ =	shalt  }
0x76: {  	_ =	shalt  }
0x77: {  	_ =	shalt  }
0x78: {  	_ =	shalt  }
0x79: {  	_ =	shalt  }
0x7a: {  	_ =	shalt  }
0x7b: {  	_ =	shalt  }
0x7c: {  	_ =	shalt  }
0x7d: {  	_ =	shalt  }
0x7e: {  	_ =	shalt  }
0x7f: {  	_ =	shalt  }
0x80: {  	_ =	shalt  }
0x81: {  	_ =	shalt  }
0x82: {  	_ =	shalt  }
0x83: {  	_ =	shalt  }
0x84: {  	_ =	shalt  }
0x85: {  	_ =	shalt  }
0x86: {  	_ =	shalt  }
0x87: {  	_ =	shalt  }
.Lfunc_end0:
.L_simem_size_0:
called_computation.1_lowered:
.L_overlay_start_0:
0x88: {  	s2 =	sld [smem:$0x3FD9]  }
0x89: {  	s3 =	sld [smem:$0x3FFE];
	_ =	sdelay $0x1  }
0x8a: {  	s1 =	srdreg.scid  }
0x8b: {  	s0 =	sand.u32 $0x1, s1  }
0x8c: {  	s17 =	sshll.u32 s0, $0xA;
	s2 =	sadd.s32 s3, s2  }
0x8d: {  	s2 =	sadd.s32 s2, s17  }
0x8e: {  	[smem:$0x3FC4] =	sst s2  }
0x8f: {  	_ = 	snop  }
0x90: {  	s2 =	sld [smem:$0x3FD0];
	(tm) =	ssettm $0x1  }
0x91: {  	s18 =	sld [smem:$0x3FFB];
	_ =	sdelay $0x3  }
0x92: {  	_ =	strace s18  }
0x93: {  	s3 =	sld [smem:$0x3FFC];
	_ =	sdelay $0x3  }
0x94: {  	_ =	strace s3  }
0x95: {  	s3 =	sld [smem:$0x3FFD];
	_ =	sdelay $0x3  }
0x96: {  	_ =	strace s3  }
0x97: {  	_ =	strace $0x8FFFFFFF  }
0x98: {  	s19 =	sld [smem:$0x3FDB];
	_ =	sdelay $0x1  }
0x99: {  	s4 =	simm.s32 $_scs_section_size  }
0x9a: {  	s5 =	simm.s32 $_size__tile_overlayer_lowered;
	s6 =	simm.s32 $_tile_overlayer_lowered  }
0x9b: {  	s22 =	simm.s32 $0x1BFF;
	s21 =	sshll.u32 s6, $0x1;
	s3 =	sadd.s32 s4, s19  }
0x9c: {  	s7 =	simm.s32 $0x0;
	s20 =	sshll.u32 s5, $0x1;
	s5 =	sadd.s32 s21, s3  }
0x9d: {  	[timem:s7], [sflag:s22] =	dma.local [hbm:s5], s20  }
0x9e: {  	_ =	swait.ge [sflag:s22], s20  }
0x9f: {  	s4 =	ssub.s32 $0x0, s20;
	[sflag:s22] =	ssyncset.done $0x0  }
0xa0: {  	[sflag:s22] =	ssyncadd.s32 s4;
	_ =	sdelay $0x1  }
0xa1: {  	s23 =	simm.s32 $0x1B8B  }
0xa2: {  	_ =	swait.ge [sflag:s23], $0x1  }
0xa3: {  	[sflag:s23] =	ssyncset.done $0x0  }
0xa4: {  	s25 =	simm.s32 $0x1B8E;
	s24 =	sld [smem:$0x3FFE];
	[sflag:s23] =	ssyncadd.s32 $0xFFFFFFFF  }
0xa5: {  	s26 =	simm.s32 $execute0_lowered;
	[smem:$0x3FD2] =	sst s25  }
0xa6: {  	s5 =	sshll.u32 s26, $0x1;
	_ =	strace $0x80000049;
	[dreg:$0x1] =	wrdreg $0xFFFFFFFF  }
0xa7: {  	s28 =	simm.s32 $_size_execute0_lowered;
	s3 =	sadd.s32 s3, s5;
	[dreg:$0x0] =	wrdreg $0x0  }
0xa8: {  	s5 =	sshll.u32 s28, $0x1;
	[dreg:$0x2] =	wrdreg s3  }
0xa9: {  	[dreg:$0x3] =	wrdreg s5  }
0xaa: {  	[dreg:$0x4] =	wrdreg $0xC0  }
0xab: {  	_ =	task [dreg:s7], $0x5FFFF  }
0xac: {  	[dreg:$0x1] =	wrdreg $0xFFFFFFFF  }
0xad: {  	[dreg:$0x0] =	wrdreg $0x60  }
0xae: {  	[dreg:$0x2] =	wrdreg s2  }
0xaf: {  	[dreg:$0x3] =	wrdreg s24  }
0xb0: {  	[dreg:$0x4] =	wrdreg $0x0  }
0xb1: {  	[dreg:$0x5] =	wrdreg $0x9  }
0xb2: {  	_ =	task.clear_ibuf [dreg:s7], $0x6FFFF;
	_ =	strace $0x90000049  }
0xb3: {  	s29 =	simm.s32 $0x9;
	_ =	strace $0x8000004B  }
0xb4: {  	_ =	swait.ge [sflag:s29], $0x1  }
0xb5: {  	[sflag:s29] =	ssyncadd.s32 $0xFFFFFFFF  }
0xb6: {  	_ =	strace $0x9000004B  }
0xb7: {  	_ =	sfence  }
0xb8: {  	s30 =	sld [smem:$0x0];
	_ =	sdelay $0x2  }
0xb9: {  	s31 =	sshll.u32 s1, $0xD;
	s1 =	sshrl.u32 s1, $0x2  }
0xba: {  	s3 =	sand.u32 $0x4000, s31;
	s1 =	sadd.s32 s1, s30  }
0xbb: {  	s0 =	sor.u32 s3, s0;
	s1 =	sshll.u32 s1, $0x11  }
0xbc: {  	s0 =	sor.u32 s1, s0  }
0xbd: {  	s0 =	sadd.s32 $0x8F2B, s0  }
0xbe: {  	[sflag:s0] =	ssyncadd.remote.s32 $0x1  }
0xbf: {  	_ =	sfence.sel $0xFFFF  }
0xc0: {  	[dreg:$0x0] =	wrdreg $0xFFFFFFFF;
	(pc) =	sbr.abs _section_cstart, $3  }
0xc1: {  	[dreg:$0x1] =	wrdreg $0xFFFFFFFF  }
0xc2: {  	_ =	task.clear_ibuf [dreg:s7], $0x2FFFF;
	_ =	strace $0x9FFFFFFF  }
0xc3: {  	(tm) =	ssettm $0x7FFFFFFF  }
tec
execute0_lowered:
.L_overlay_start_1:
0x0: {  	(tag) =	ssettag $0x1  }
0x1: {  	s0 =	rddreg [dreg:$0x0]  }
0x2: {  	s1 =	rddreg [dreg:$0x1];
	s3 =	srdreg.scid  }
0x3: {  	s10 =	stileid.u32;
	s2 =	rddreg [dreg:$0x2]  }
0x4: {  	s17 =	simm.s32 $0x18200;
	s18 =	simm.s32 $0x4;
	s19 =	simm.s32 $0x14000  }
0x5: {  	s20 =	simm.s32 $0x14100;
	s21 =	simm.s32 $0x80;
	s23 =	simm.s32 $0x16200  }
0x6: {  	s28 =	simm.s32 $0x2;
	s29 =	simm.s32 $0x14180;
	s30 =	simm.s32 $0x0  }
0x7: {  	s5 =	sand.u32 $0x1, s3;
	s6 =	smul.u32 $0x14000, s10;
	s3 =	simm.s32 $0x0  }
0x8: {  	s4 =	sadd.s32 $0x1000, s1;
	s9 =	smul.u32 $0x50000, s10;
	s13 =	sadd.s32 $0x40, s0  }
0x9: {  	s14 =	sadd.s32 $0x60, s0;
	s7 =	smul.u32 $0x140000, s5;
	[smem:$0x7FF] =	sst s3  }
0xa: {  	s8 =	sshll.u32 s5, $0x4;
	s24 =	ssub.s32 $0x2, s5;
	_ =	strace $0x8000004A  }
0xb: {  	s8 =	sor.u32 s10, s8;
	s25 =	sshrl.u32 s24, $0x1;
	s9 =	sshrl.u32 s9, $0x2  }
0xc: {  	s7 =	sadd.s32 s6, s7;
	s5 =	smul.u32 $0x50, s8;
	s26 =	sadd.s32 s9, s2  }
0xd: {  	s11 =	smul.u32 $0xA00, s8;
	s6 =	sadd.s32 s6, s2;
	s7 =	sshrl.u32 s7, $0x3  }
.Ltmp0:
0xe: {  	s31 =	sadd.s32 $0x4000, s26;
	s8 =	sadd.s32 $0x8000, s26;
	(pc) =	sbr.rel .LBB2_1-.Ltmp0, $4  }
0xf: {  	s9 =	sadd.s32 $0xC000, s26;
	s10 =	sadd.s32 $0x10000, s26;
	s26 =	simm.s32 $0x3  }
0x10: {  	s1 =	sadd.s32 s7, s1;
	s7 =	ssub.s32 s24, s25;
	[dreg:$0x4] =	wrdreg s31  }
0x11: {  	s11 =	sadd.s32 s0, s11;
	s24 =	simm.s32 $0x1;
	s25 =	simm.s32 $0x14080  }
0x12: {  	v0 =	vimm.f32 $0.0e+00;
	s12 =	sadd.s32 $0x20, s11;
	s15 =	sadd.s32 $0x14A00, s1;
	s16 =	smax.u32 s7, $0x1  }
.LBB2_10:
0x13: {  	[tilespmem:s17], [sflag:$0x4] =	stream.linear.gather [spmem:s6], $0x400, $0x38;
	[tilespmem:$0x1C200] =	vst v63  }
0x14: {  	_ =	swait.ge [sflag:s18], $0x400  }
0x15: {  	s0 =	stileid.u32;
	[sflag:s18] =	ssyncset.done $0x0  }
0x16: {  	s1 =	sshrl.u32 s6, $0x3;
	s30 =	sadd.s32 $0x1, s30;
	[sflag:s18] =	ssyncadd.s32 $0xFFFFFC00  }
0x17: {  	s0 =	sshll.u32 s0, $0x6;
	p0 =	sne.s32 s30, s16;
	[bflag:$0x0] =	sbarrier.arrive $0xFFFF  }
.Ltmp1:
0x18: {  	s0 =	sor.u32 $0x1C04, s0;
	[bflag:$0x0] =	sbarrier.arrive $0xFFFF;
	(pc) =	sbr.rel @!p0 .LBB2_11-.Ltmp1, $4  }
0x19: {  	[hbm:s15], [sflag:s0] =	dma.local [spmem:s1], $0x2800  }
0x1a: {  	_ =	swait.ge [sflag:s18], $0x2800  }
0x1b: {  	[sflag:s18] =	ssyncset.done $0x0  }
0x1c: {  	[sflag:s18] =	ssyncadd.s32 $0xFFFFD800  }
.LBB2_1:
0x1d: {  	s0 =	simm.s32 $0x0;
	s1 =	simm.s32 $0x200  }
.LBB2_2:
0x1e: {  	p0 =	sne.s32 s1, $0xFE00;
	[tilespmem:s0+$0x18270] =	vst v0  }
0x1f: {  	[tilespmem:s0+$0x18200] =	vst v0  }
0x20: {  	[tilespmem:s0+$0x18210] =	vst v0  }
.Ltmp2:
0x21: {  	[tilespmem:s0+$0x18220] =	vst v0;
	(pc) =	sbr.rel @p0 .LBB2_2-.Ltmp2, $4  }
0x22: {  	[tilespmem:s0+$0x18230] =	vst v0  }
0x23: {  	[tilespmem:s0+$0x18240] =	vst v0  }
0x24: {  	[tilespmem:s0+$0x18250] =	vst v0  }
0x25: {  	[tilespmem:s0+$0x18260] =	vst v0;
	s0 =	sshra.s32 s1, $0x2;
	s1 =	sadd.s32 $0x200, s1  }
0x26: {  	[tilespmem:s0+$0x18270] =	vst v0  }
0x27: {  	[tilespmem:s0+$0x18200] =	vst v0  }
0x28: {  	[tilespmem:s0+$0x18210] =	vst v0  }
0x29: {  	[tilespmem:s0+$0x18220] =	vst v0  }
0x2a: {  	[tilespmem:s0+$0x18230] =	vst v0  }
0x2b: {  	[tilespmem:s0+$0x18240] =	vst v0  }
0x2c: {  	[tilespmem:s0+$0x18250] =	vst v0  }
0x2d: {  	[tilespmem:s0+$0x18260] =	vst v0  }
0x2e: {  	[spmem:s6] =	stream.linear.scatter [tilespmem:s17], [sflag:$0x4], $0x4000, $0x38;
	[tilespmem:$0x1C200] =	vst v63  }
0x2f: {  	_ =	swait.ge [sflag:s18], $0x4000  }
0x30: {  	[sflag:s18] =	ssyncset.done $0x0  }
0x31: {  	s7 =	rddreg [dreg:$0x4];
	[sflag:s18] =	ssyncadd.s32 $0xFFFFC000  }
0x32: {  	[spmem:s7] =	stream.linear.scatter [tilespmem:s17], [sflag:$0x4], $0x4000, $0x38;
	[tilespmem:$0x1C200] =	vst v63  }
0x33: {  	_ =	swait.ge [sflag:s18], $0x4000  }
0x34: {  	[sflag:s18] =	ssyncset.done $0x0  }
0x35: {  	[sflag:s18] =	ssyncadd.s32 $0xFFFFC000  }
0x36: {  	[spmem:s8] =	stream.linear.scatter [tilespmem:s17], [sflag:$0x4], $0x4000, $0x38;
	[tilespmem:$0x1C200] =	vst v63  }
0x37: {  	_ =	swait.ge [sflag:s18], $0x4000  }
0x38: {  	[sflag:s18] =	ssyncset.done $0x0  }
0x39: {  	[sflag:s18] =	ssyncadd.s32 $0xFFFFC000  }
0x3a: {  	[spmem:s9] =	stream.linear.scatter [tilespmem:s17], [sflag:$0x4], $0x4000, $0x38;
	[tilespmem:$0x1C200] =	vst v63  }
0x3b: {  	_ =	swait.ge [sflag:s18], $0x4000  }
0x3c: {  	[sflag:s18] =	ssyncset.done $0x0  }
0x3d: {  	[sflag:s18] =	ssyncadd.s32 $0xFFFFC000  }
0x3e: {  	[spmem:s10] =	stream.linear.scatter [tilespmem:s17], [sflag:$0x4], $0x4000, $0x38;
	[tilespmem:$0x1C200] =	vst v63  }
0x3f: {  	_ =	swait.ge [sflag:s18], $0x4000  }
0x40: {  	[sflag:s18] =	ssyncset.done $0x0  }
0x41: {  	[sflag:s18] =	ssyncadd.s32 $0xFFFFC000  }
0x42: {  	s31 =	simm.s32 $0x0;
	[bflag:$0x0] =	sbarrier.arrive $0xFFFF  }
0x43: {  	[tilespmem:s19], [sflag:$0x4] =	stream.linear.gather [hbm4b:s11+s31], $0x100, $0x38;
	[tilespmem:$0x1C200] =	vst v63  }
0x44: {  	_ =	swait.ge [sflag:s18], $0x100  }
0x45: {  	[sflag:s18] =	ssyncset.done $0x0  }
0x46: {  	[sflag:s18] =	ssyncadd.s32 $0xFFFFFF00  }
0x47: {  	[tilespmem:s20], [sflag:$0x4] =	stream.linear.gather [hbm4b:s12+s31], $0x100, $0x38;
	[tilespmem:$0x1C200] =	vst v63  }
0x48: {  	_ =	swait.ge [sflag:s18], $0x100  }
0x49: {  	[sflag:s18] =	ssyncset.done $0x0  }
0x4a: {  	s22 =	simm.s32 $0x14200;
	[sflag:s18] =	ssyncadd.s32 $0xFFFFFF00  }
0x4b: {  	[tilespmem:s22], [sflag:$0x1] =	stream.indirect.gather [hbm4b:s4+s21], $0x40, s19, s21, $0xb8;
	[tilespmem:$0x1C200] =	vst v63  }
0x4c: {  	_ = 	snop  }
0x4d: {  	[tilespmem:s23], [sflag:$0x2] =	stream.indirect.gather [hbm4b:s4+s21], $0x40, s20, s21, $0xb8;
	[tilespmem:$0x1C200] =	vst v63  }
.LBB2_4:
0x4e: {  	_ =	swait.ge [sflag:s24], $0x2000  }
0x4f: {  	[sflag:s24] =	ssyncset.done $0x0  }
0x50: {  	s0 =	simm.s32 $0x0;
	[sflag:s24] =	ssyncadd.s32 $0xFFFFE000  }
0x51: {  	v1 =	vld [tilespmem:s0+$0x14200];
	_ =	sdelay $0x4  }
0x52: {  	s1 =	simm.s32 $0x18240;
	v2 =	vshll.u32 v1, $0x10  }
0x53: {  	v1 =	vand.u32 $0xFFFF0000, v1;
	[tilespmem:s1+$0xFFFFFFC0] =	vst v2  }
0x54: {  	[tilespmem:s1+$0xFFFFFFD0] =	vst v1  }
0x55: {  	v1 =	vld [tilespmem:s0+$0x14210];
	_ =	sdelay $0x4  }
0x56: {  	v2 =	vshll.u32 v1, $0x10  }
0x57: {  	v1 =	vand.u32 $0xFFFF0000, v1;
	[tilespmem:s1+$0xFFFFFFE0] =	vst v2  }
0x58: {  	[tilespmem:s1+$0xFFFFFFF0] =	vst v1  }
0x59: {  	v1 =	vld [tilespmem:s0+$0x14220];
	_ =	sdelay $0x4  }
0x5a: {  	v2 =	vand.u32 $0xFFFF0000, v1  }
0x5b: {  	v1 =	vshll.u32 v1, $0x10;
	[tilespmem:s1+$0x10] =	vst v2  }
0x5c: {  	[tilespmem:s1+$0x0] =	vst v1  }
0x5d: {  	v1 =	vld [tilespmem:s0+$0x14230];
	_ =	sdelay $0x4  }
0x5e: {  	v2 =	vshll.u32 v1, $0x10  }
0x5f: {  	v1 =	vand.u32 $0xFFFF0000, v1;
	[tilespmem:s1+$0x20] =	vst v2  }
0x60: {  	s22 =	simm.s32 $0x40;
	[tilespmem:s1+$0x30] =	vst v1  }
0x61: {  	v1 =	vld [tilespmem:s22+$0x14200]  }
0x62: {  	s0 =	simm.s32 $0x200  }
.LBB2_5:
0x63: {  	p0 =	sne.s32 s0, $0x7F00;
	_ =	sdelay $0x2  }
0x64: {  	s1 =	sadd.s32 $0x80, s1;
	v2 =	vshll.u32 v1, $0x10  }
0x65: {  	v1 =	vand.u32 $0xFFFF0000, v1;
	[tilespmem:s1+$0xFFFFFFC0] =	vst v2  }
0x66: {  	[tilespmem:s1+$0xFFFFFFD0] =	vst v1  }
0x67: {  	v1 =	vld [tilespmem:s22+$0x14210];
	_ =	sdelay $0x4  }
0x68: {  	v2 =	vshll.u32 v1, $0x10  }
0x69: {  	v1 =	vand.u32 $0xFFFF0000, v1;
	[tilespmem:s1+$0xFFFFFFE0] =	vst v2  }
0x6a: {  	[tilespmem:s1+$0xFFFFFFF0] =	vst v1  }
0x6b: {  	v1 =	vld [tilespmem:s22+$0x14220];
	_ =	sdelay $0x4  }
0x6c: {  	v2 =	vshll.u32 v1, $0x10;
	v1 =	vand.u32 $0xFFFF0000, v1  }
0x6d: {  	[tilespmem:s1+$0x10] =	vst v1  }
0x6e: {  	[tilespmem:s1+$0x0] =	vst v2  }
0x6f: {  	v1 =	vld [tilespmem:s22+$0x14230];
	_ =	sdelay $0x4  }
.Ltmp3:
0x70: {  	v2 =	vshll.u32 v1, $0x10;
	v1 =	vand.u32 $0xFFFF0000, v1;
	(pc) =	sbr.rel @p0 .LBB2_5-.Ltmp3, $4  }
0x71: {  	[tilespmem:s1+$0x20] =	vst v2  }
0x72: {  	s22 =	sshra.s32 s0, $0x2;
	[tilespmem:s1+$0x30] =	vst v1  }
0x73: {  	v1 =	vld [tilespmem:s22+$0x14200]  }
0x74: {  	s0 =	sadd.s32 $0x100, s0  }
0x75: {  	_ =	sdelay $0x2  }
0x76: {  	s0 =	sadd.s32 $0x80, s1;
	v2 =	vshll.u32 v1, $0x10  }
0x77: {  	v1 =	vand.u32 $0xFFFF0000, v1;
	[tilespmem:s0+$0xFFFFFFC0] =	vst v2  }
0x78: {  	[tilespmem:s0+$0xFFFFFFD0] =	vst v1  }
0x79: {  	v1 =	vld [tilespmem:s22+$0x14210];
	_ =	sdelay $0x4  }
0x7a: {  	v2 =	vshll.u32 v1, $0x10  }
0x7b: {  	v1 =	vand.u32 $0xFFFF0000, v1;
	[tilespmem:s0+$0xFFFFFFE0] =	vst v2  }
0x7c: {  	[tilespmem:s0+$0xFFFFFFF0] =	vst v1  }
0x7d: {  	v1 =	vld [tilespmem:s22+$0x14220];
	_ =	sdelay $0x4  }
0x7e: {  	v2 =	vand.u32 $0xFFFF0000, v1  }
0x7f: {  	v1 =	vshll.u32 v1, $0x10;
	[tilespmem:s0+$0x10] =	vst v2  }
0x80: {  	[tilespmem:s0+$0x0] =	vst v1  }
0x81: {  	v1 =	vld [tilespmem:s22+$0x14230];
	_ =	sdelay $0x4  }
0x82: {  	v2 =	vshll.u32 v1, $0x10  }
0x83: {  	v1 =	vand.u32 $0xFFFF0000, v1;
	[tilespmem:s0+$0x20] =	vst v2  }
0x84: {  	s1 =	sshll.u32 s31, $0x1;
	[tilespmem:s0+$0x30] =	vst v1  }
0x85: {  	[spmem:s2] =	stream.indirect.scatter.add.f32 [tilespmem:s17], [sflag:$0x3], $0x80, s25, s21, $0xb8;
	[tilespmem:$0x1C200] =	vst v63  }
0x86: {  	p0 =	seq.s32 s31, $0x27;
	s1 =	sadd.s32 s5, s1;
	_ =	swait.ge [sflag:s26], $0x4000  }
0x87: {  	s7 =	simm.s32 @!p0 $0x0;
	s0 =	sshll.u32 @!p0 s1, $0x5;
	[sflag:s26] =	ssyncset.done $0x0  }
0x88: {  	s22 =	simm.s32 @!p0 $0x14000;
	s0 =	sadd.s32 @!p0 s0, s13;
	[sflag:s26] =	ssyncadd.s32 $0xFFFFC000  }
0x89: {  	[tilespmem:s22], [sflag:$0x4] =	stream.linear.gather @!p0 [hbm4b:s0+s7], $0x100, $0x38;
	[tilespmem:$0x1C200] =	vst v63  }
0x8a: {  	s0 =	simm.s32 @!p0 $0x4  }
0x8b: {  	_ =	swait.ge @!p0 [sflag:s0], $0x100  }
0x8c: {  	[sflag:s0] =	ssyncset.done @!p0 $0x0  }
0x8d: {  	s7 =	simm.s32 @!p0 $0x14200;
	[sflag:s0] =	ssyncadd.s32 @!p0 $0xFFFFFF00;
	s0 =	simm.s32 @!p0 $0x80  }
0x8e: {  	[tilespmem:s7], [sflag:$0x1] =	stream.indirect.gather @!p0 [hbm4b:s4+s0], $0x40, s22, s0, $0xb8;
	[tilespmem:$0x1C200] =	vst v63  }
0x8f: {  	_ =	swait.ge [sflag:s28], $0x2000  }
0x90: {  	[sflag:s28] =	ssyncset.done $0x0  }
0x91: {  	s7 =	simm.s32 $0x0;
	[sflag:s28] =	ssyncadd.s32 $0xFFFFE000  }
0x92: {  	v1 =	vld [tilespmem:s7+$0x16200];
	_ =	sdelay $0x4  }
0x93: {  	s22 =	simm.s32 $0x18240;
	v2 =	vshll.u32 v1, $0x10  }
0x94: {  	v1 =	vand.u32 $0xFFFF0000, v1;
	[tilespmem:s22+$0xFFFFFFC0] =	vst v2  }
0x95: {  	[tilespmem:s22+$0xFFFFFFD0] =	vst v1  }
0x96: {  	v1 =	vld [tilespmem:s7+$0x16210];
	_ =	sdelay $0x4  }
0x97: {  	v2 =	vshll.u32 v1, $0x10  }
0x98: {  	v1 =	vand.u32 $0xFFFF0000, v1;
	[tilespmem:s22+$0xFFFFFFE0] =	vst v2  }
0x99: {  	[tilespmem:s22+$0xFFFFFFF0] =	vst v1  }
0x9a: {  	v1 =	vld [tilespmem:s7+$0x16220];
	_ =	sdelay $0x4  }
0x9b: {  	v2 =	vand.u32 $0xFFFF0000, v1  }
0x9c: {  	v1 =	vshll.u32 v1, $0x10;
	[tilespmem:s22+$0x10] =	vst v2  }
0x9d: {  	[tilespmem:s22+$0x0] =	vst v1  }
0x9e: {  	v1 =	vld [tilespmem:s7+$0x16230];
	_ =	sdelay $0x4  }
0x9f: {  	v2 =	vshll.u32 v1, $0x10  }
0xa0: {  	v1 =	vand.u32 $0xFFFF0000, v1;
	[tilespmem:s22+$0x20] =	vst v2  }
0xa1: {  	s0 =	simm.s32 $0x40;
	[tilespmem:s22+$0x30] =	vst v1  }
0xa2: {  	v1 =	vld [tilespmem:s0+$0x16200]  }
0xa3: {  	s7 =	simm.s32 $0x200  }
.LBB2_7:
0xa4: {  	p1 =	sne.s32 s7, $0x7F00;
	_ =	sdelay $0x2  }
0xa5: {  	s22 =	sadd.s32 $0x80, s22;
	v2 =	vshll.u32 v1, $0x10  }
0xa6: {  	v1 =	vand.u32 $0xFFFF0000, v1;
	[tilespmem:s22+$0xFFFFFFC0] =	vst v2  }
0xa7: {  	[tilespmem:s22+$0xFFFFFFD0] =	vst v1  }
0xa8: {  	v1 =	vld [tilespmem:s0+$0x16210];
	_ =	sdelay $0x4  }
0xa9: {  	v2 =	vshll.u32 v1, $0x10  }
0xaa: {  	v1 =	vand.u32 $0xFFFF0000, v1;
	[tilespmem:s22+$0xFFFFFFE0] =	vst v2  }
0xab: {  	[tilespmem:s22+$0xFFFFFFF0] =	vst v1  }
0xac: {  	v1 =	vld [tilespmem:s0+$0x16220];
	_ =	sdelay $0x4  }
0xad: {  	v2 =	vshll.u32 v1, $0x10;
	v1 =	vand.u32 $0xFFFF0000, v1  }
0xae: {  	[tilespmem:s22+$0x10] =	vst v1  }
0xaf: {  	[tilespmem:s22+$0x0] =	vst v2  }
0xb0: {  	v1 =	vld [tilespmem:s0+$0x16230];
	_ =	sdelay $0x4  }
.Ltmp4:
0xb1: {  	v2 =	vshll.u32 v1, $0x10;
	v1 =	vand.u32 $0xFFFF0000, v1;
	(pc) =	sbr.rel @p1 .LBB2_7-.Ltmp4, $4  }
0xb2: {  	[tilespmem:s22+$0x20] =	vst v2  }
0xb3: {  	s0 =	sshra.s32 s7, $0x2;
	[tilespmem:s22+$0x30] =	vst v1  }
0xb4: {  	v1 =	vld [tilespmem:s0+$0x16200]  }
0xb5: {  	s7 =	sadd.s32 $0x100, s7  }
0xb6: {  	_ =	sdelay $0x2  }
0xb7: {  	s7 =	sadd.s32 $0x80, s22;
	v2 =	vshll.u32 v1, $0x10  }
0xb8: {  	v1 =	vand.u32 $0xFFFF0000, v1;
	[tilespmem:s7+$0xFFFFFFC0] =	vst v2  }
0xb9: {  	[tilespmem:s7+$0xFFFFFFD0] =	vst v1  }
0xba: {  	v1 =	vld [tilespmem:s0+$0x16210];
	_ =	sdelay $0x4  }
0xbb: {  	v2 =	vshll.u32 v1, $0x10  }
0xbc: {  	v1 =	vand.u32 $0xFFFF0000, v1;
	[tilespmem:s7+$0xFFFFFFE0] =	vst v2  }
0xbd: {  	[tilespmem:s7+$0xFFFFFFF0] =	vst v1  }
0xbe: {  	v1 =	vld [tilespmem:s0+$0x16220];
	_ =	sdelay $0x4  }
0xbf: {  	v2 =	vand.u32 $0xFFFF0000, v1  }
0xc0: {  	v1 =	vshll.u32 v1, $0x10;
	[tilespmem:s7+$0x10] =	vst v2  }
0xc1: {  	[tilespmem:s7+$0x0] =	vst v1  }
0xc2: {  	v1 =	vld [tilespmem:s0+$0x16230];
	_ =	sdelay $0x4  }
0xc3: {  	v2 =	vshll.u32 v1, $0x10  }
0xc4: {  	v1 =	vand.u32 $0xFFFF0000, v1;
	[tilespmem:s7+$0x20] =	vst v2  }
.Ltmp5:
0xc5: {  	[tilespmem:s7+$0x30] =	vst v1;
	(pc) =	sbr.rel @p0 .LBB2_10-.Ltmp5, $4  }
0xc6: {  	[spmem:s2] =	stream.indirect.scatter.add.f32 [tilespmem:s17], [sflag:$0x3], $0x80, s29, s21, $0xb8;
	[tilespmem:$0x1C200] =	vst v63  }
0xc7: {  	_ =	swait.ge [sflag:s26], $0x4000  }
0xc8: {  	[sflag:s26] =	ssyncset.done $0x0  }
0xc9: {  	[sflag:s26] =	ssyncadd.s32 $0xFFFFC000  }
0xca: {  	s0 =	sshll.u32 s1, $0x5  }
0xcb: {  	s0 =	sadd.s32 s0, s14  }
0xcc: {  	[tilespmem:s20], [sflag:$0x4] =	stream.linear.gather [hbm4b:s0+s3], $0x100, $0x38;
	[tilespmem:$0x1C200] =	vst v63  }
.Ltmp6:
0xcd: {  	_ = 	snop;
	(pc) =	sbr.rel .LBB2_4-.Ltmp6, $4  }
0xce: {  	_ =	swait.ge [sflag:s18], $0x100  }
0xcf: {  	[sflag:s18] =	ssyncset.done $0x0  }
0xd0: {  	s31 =	sadd.s32 $0x1, s31;
	[sflag:s18] =	ssyncadd.s32 $0xFFFFFF00  }
0xd1: {  	[tilespmem:s23], [sflag:$0x2] =	stream.indirect.gather [hbm4b:s4+s21], $0x40, s20, s21, $0xb8;
	[tilespmem:$0x1C200] =	vst v63  }
.LBB2_11:
0xd2: {  	_ =	sfence.sel $0x180000  }
0xd3: {  	[bflag:$0x0] =	sbarrier.arrive $0xFFFF  }
0xd4: {  	_ =	strace $0x9000004A  }
0xd5: {  	s0 =	stileid.u32;
	[bflag:$0x2] =	sbarrier.arrive $0xFFFF  }
0xd6: {  	p0 =	sne.s32 s0, $0x0;
	s0 =	rddreg [dreg:$0x3]  }
0xd7: {  	s0 =	sadd.s32 @!p0 $0x100000, s0  }
0xd8: {  	[sflag:s0] =	ssyncadd.tile.s32 @!p0 $0x1;
	_ =	shalt  }
.Lfunc_end2:
_tile_overlayer_lowered:
.L_overlay_start_2:
0xd9: {  	(tag) =	ssettag $0x2  }
0xda: {  	s0 =	rddreg [dreg:$0x0];
	s2 =	stileid.u32  }
0xdb: {  	s1 =	rddreg [dreg:$0x1];
	p0 =	sne.s32 s2, $0x0  }
0xdc: {  	s3 =	rddreg [dreg:$0x2];
	[bflag:$0x3] =	sbarrier.arrive $0xFFFF;
	s2 =	simm.s32 @!p0 $0x1C04  }
0xdd: {  	[timem:s3], [sflag:s2] =	dma.local @!p0 [hbm:s0], s1  }
0xde: {  	s0 =	simm.s32 @!p0 $0x4  }
0xdf: {  	_ =	swait.ge @!p0 [sflag:s0], s1  }
0xe0: {  	s1 =	ssub.s32 @!p0 $0x0, s1;
	[sflag:s0] =	ssyncset.done @!p0 $0x0  }
0xe1: {  	[sflag:s0] =	ssyncadd.s32 @!p0 s1  }
0xe2: {  	[bflag:$0x3] =	sbarrier.arrive $0xFFFF  }
0xe3: {  	_ =	shalt  }

</sc_bundles>
